<compile_context>
chip_gen: v7x
topology: tpu7x:2x2x1
jax: 0.10.2.dev20260603
libtpu: 0.0.44.dev20260713+nightly
codegen_flags: <defaults>
</compile_context>

<pallas_src>
import functools

import jax
import jax.numpy as jnp
from jax import lax
from jax.experimental import pallas as pl
from jax.experimental.pallas import tpu as pltpu
from jax.experimental.pallas import tpu_sc as plsc

NC, NS = 2, 16
NW = NC * NS
R = 16384
S = 50
D = 64
V = 100
NI = R // NW
L = 16
G = 8
PW = D + 1
CW = V * PW + 1
NI2 = NI // 2
NB2 = NI2 // L

_mesh = plsc.VectorSubcoreMesh(core_axis_name="c", subcore_axis_name="s")


@functools.partial(
    pl.kernel,
    out_type=jax.ShapeDtypeStruct((S, D, R), jnp.float32),
    mesh=_mesh,
    scratch_types=[
        pltpu.VMEM((G * CW,), jnp.float32),
        pltpu.VMEM((S, NI), jnp.int32),
        pltpu.VMEM((2 * D, NI2), jnp.float32),
        pltpu.SemaphoreType.DMA,
        pltpu.SemaphoreType.DMA,
    ],
    compiler_params=pltpu.CompilerParams(
        use_tc_tiling_on_sc=True, needs_layout_passes=False
    ),
)
def _embed(idxT_hbm, tab_hbm, out_hbm, tab_v, idx_v, obuf, tsem, ssem):
    wid = lax.axis_index("s") * NC + lax.axis_index("c")
    i0 = wid * NI

    pltpu.async_copy(tab_hbm, tab_v, tsem).wait()
    pltpu.async_copy(idxT_hbm.at[:, pl.ds(i0, NI)], idx_v, tsem).wait()

    lane_off = (lax.iota(jnp.int32, L) & (G - 1)) * CW

    def wait_store_one():
        pltpu.make_async_copy(
            obuf.at[pl.ds(0, D)], out_hbm.at[0, :, pl.ds(i0, NI2)], ssem
        ).wait()

    @pl.loop(0, 2 * S)
    def _main(u):
        s = u // 2
        h = u % 2
        base = h * D

        @pl.when(u >= 2)
        def _():
            wait_store_one()

        for ib in range(NB2):
            sl = pl.ds(ib * L, L)
            a = lane_off + idx_v[s, pl.ds(h * NI2 + ib * L, L)] * PW

            @plsc.parallel_loop(0, D, unroll=8)
            def _gather(d):
                obuf[base + d, sl] = plsc.load_gather(tab_v, [a + d])

        pltpu.async_copy(
            obuf.at[pl.ds(base, D)],
            out_hbm.at[s, :, pl.ds(i0 + h * NI2, NI2)],
            ssem,
        )

    wait_store_one()
    wait_store_one()


def kernel(product_id, product_embed_weight):
    idxT = product_id.T
    w65 = jnp.pad(product_embed_weight, ((0, 0), (0, 1)))
    tab = jnp.tile(jnp.pad(w65.reshape(-1), (0, 1)), G)
    out = _embed(idxT, tab)
    return jnp.transpose(out, (2, 0, 1))

# --- scband reference (transcript-rebuilt; emitter-appended) ---
"""Pipeline reference for scband-product-embedding-81853486727902 (READ-ONLY COPY).

The authoritative reference and input builder live on the scoring server;
editing this copy changes nothing except your own understanding.
"""

import jax, jax.numpy as jnp
import numpy as np


def setup_inputs(seed: int = 0) -> dict:
    key = jax.random.key(seed)
    k_idx, k_tab = jax.random.split(key)
    product_id = jax.random.randint(k_idx, (16384, 50), 0, 100, dtype=jnp.int32)
    # nn.Embedding(100, 64) weight, default init N(0, 1)
    product_embed_weight = jax.random.normal(k_tab, (100, 64), dtype=jnp.float32)
    return {"product_id": product_id, "product_embed_weight": product_embed_weight}


def reference(product_id, product_embed_weight):
    # ProductEmbedding.forward: self.product_embed(product_id).to(torch.float32)
    out = jnp.take(product_embed_weight, product_id, axis=0)
    return out.astype(jnp.float32)

if __name__ == "__main__":
    import jax
    _d = setup_inputs()
    print(jax.jit(kernel)(*tuple(_d.values())))

</pallas_src>

<mosaic_0001>
#map = affine_map<(d0, d1) -> (0, 0)>
#map1 = affine_map<(d0, d1) -> (0)>
#map2 = affine_map<(d0, d1) -> (0, 0, 0)>
module attributes {stable_mosaic.version = 14 : i64} {
  func.func @_embed(%arg0: i32, %arg1: i32, %arg2: memref<50x16384xi32, #tpu.memory_space<hbm>>, %arg3: memref<52008xf32, #tpu.memory_space<hbm>>, %arg4: memref<50x64x16384xf32, #tpu.memory_space<hbm>>, %arg5: memref<52008xf32, #tpu.memory_space<vmem>>, %arg6: memref<50x512xi32, #tpu.memory_space<vmem>>, %arg7: memref<128x256xf32, #tpu.memory_space<vmem>>, %arg8: memref<!tpu.dma_semaphore, #tpu.memory_space<semaphore_mem>>, %arg9: memref<!tpu.dma_semaphore, #tpu.memory_space<semaphore_mem>>) attributes {dimension_semantics = [#tpu.dimension_semantics<core_parallel>, #tpu.dimension_semantics<subcore_parallel>], iteration_bounds = array<i64: 2, 16>, scalar_prefetch = 0 : i64, scratch_operands = 5 : i64, tpu.core_type = #tpu.core_type<sc_vector_subcore>, window_params = [{transform_indices = #map}, {transform_indices = #map1}, {transform_indices = #map2}]} {
    %mul3A = arith.constant 2 : i32
    %mul3A_0 = arith.muli %arg1, %mul3A : i32
    %add3A = arith.addi %mul3A_0, %arg0 : i32
    %mul3A_1 = arith.constant 512 : i32
    %mul3A_2 = arith.muli %add3A, %mul3A_1 : i32
    tpu.enqueue_dma source(%arg3 : memref<52008xf32, #tpu.memory_space<hbm>>) target(%arg5 : memref<52008xf32, #tpu.memory_space<vmem>>) target_semaphore(%arg8 : memref<!tpu.dma_semaphore, #tpu.memory_space<semaphore_mem>>)
    tpu.wait_dma2 semaphore(%arg8 : memref<!tpu.dma_semaphore, #tpu.memory_space<semaphore_mem>>) src(%arg3 : memref<52008xf32, #tpu.memory_space<hbm>>) dst(%arg5 : memref<52008xf32, #tpu.memory_space<vmem>>)
    %dma_start3A = arith.constant 0 : i32
    %dma_start3A_3 = tpu.memref_slice %arg2[%dma_start3A, %mul3A_2] : memref<50x16384xi32, #tpu.memory_space<hbm>> -> memref<50x512xi32, #tpu.memory_space<hbm>>
    %dma_start3A_4 = arith.constant 0 : i32
    %dma_start3A_5 = tpu.memref_slice %arg2[%dma_start3A_4, %mul3A_2] : memref<50x16384xi32, #tpu.memory_space<hbm>> -> memref<50x512xi32, #tpu.memory_space<hbm>>
    tpu.enqueue_dma source(%dma_start3A_5 : memref<50x512xi32, #tpu.memory_space<hbm>>) target(%arg6 : memref<50x512xi32, #tpu.memory_space<vmem>>) target_semaphore(%arg8 : memref<!tpu.dma_semaphore, #tpu.memory_space<semaphore_mem>>)
    %dma_wait3A = arith.constant 0 : i32
    %dma_wait3A_6 = tpu.memref_slice %arg2[%dma_wait3A, %mul3A_2] : memref<50x16384xi32, #tpu.memory_space<hbm>> -> memref<50x512xi32, #tpu.memory_space<hbm>>
    %dma_wait3A_7 = arith.constant 0 : i32
    %dma_wait3A_8 = tpu.memref_slice %arg2[%dma_wait3A_7, %mul3A_2] : memref<50x16384xi32, #tpu.memory_space<hbm>> -> memref<50x512xi32, #tpu.memory_space<hbm>>
    tpu.wait_dma2 semaphore(%arg8 : memref<!tpu.dma_semaphore, #tpu.memory_space<semaphore_mem>>) src(%dma_wait3A_8 : memref<50x512xi32, #tpu.memory_space<hbm>>) dst(%arg6 : memref<50x512xi32, #tpu.memory_space<vmem>>)
    %iota3A = tpu.iota {dimensions = array<i32: 0>} : vector<16xi32>
    %and3A = arith.constant 7 : i32
    %and3A_9 = vector.broadcast %and3A : i32 to vector<16xi32>
    %and3A_10 = arith.andi %iota3A, %and3A_9 : vector<16xi32>
    %mul3A_11 = arith.constant 6501 : i32
    %mul3A_12 = vector.broadcast %mul3A_11 : i32 to vector<16xi32>
    %mul3A_13 = arith.muli %and3A_10, %mul3A_12 : vector<16xi32>
    %scan3A = arith.constant 0 : i32
    %scan3A_14 = arith.constant 100 : i32
    %scan3A_15 = arith.addi %scan3A, %scan3A_14 : i32
    %scan3A_16 = arith.constant 1 : i32
    scf.for %scan3A_44 = %scan3A to %scan3A_15 step %scan3A_16  : i32 {
      %mul3A_45 = arith.constant 1 : i32
      %mul3A_46 = arith.muli %scan3A_44, %mul3A_45 : i32
      %add3A_47 = arith.constant 0 : i32
      %add3A_48 = arith.addi %add3A_47, %mul3A_46 : i32
      %jit3A = arith.constant 2 : i32
      %div3A = arith.divsi %add3A_48, %jit3A : i32
      %sign3A = arith.constant 0 : i32
      %sign3A_49 = arith.cmpi sgt, %add3A_48, %sign3A : i32
      %sign3A_50 = arith.extui %sign3A_49 : i1 to i32
      %sign3A_51 = arith.constant 0 : i32
      %sign3A_52 = arith.cmpi slt, %add3A_48, %sign3A_51 : i32
      %sign3A_53 = arith.extui %sign3A_52 : i1 to i32
      %sign3A_54 = arith.subi %sign3A_50, %sign3A_53 : i32
      %sign3A_55 = arith.constant 0 : i32
      %sign3A_56 = arith.cmpi sgt, %jit3A, %sign3A_55 : i32
      %sign3A_57 = arith.extui %sign3A_56 : i1 to i32
      %sign3A_58 = arith.constant 0 : i32
      %sign3A_59 = arith.cmpi slt, %jit3A, %sign3A_58 : i32
      %sign3A_60 = arith.extui %sign3A_59 : i1 to i32
      %sign3A_61 = arith.subi %sign3A_57, %sign3A_60 : i32
      %ne3A = arith.cmpi ne, %sign3A_54, %sign3A_61 : i32
      %rem3A = arith.remsi %add3A_48, %jit3A : i32
      %ne3A_62 = arith.constant 0 : i32
      %ne3A_63 = arith.cmpi ne, %rem3A, %ne3A_62 : i32
      %and3A_64 = arith.andi %ne3A, %ne3A_63 : i1
      %sub3A = arith.constant 1 : i32
      %sub3A_65 = arith.subi %div3A, %sub3A : i32
      %select_n3A = arith.select %and3A_64, %sub3A_65, %div3A : i32
      %jit3A_66 = arith.constant 2 : i32
      %eq3A = arith.constant 0 : i32
      %eq3A_67 = arith.cmpi eq, %jit3A_66, %eq3A : i32
      %jit3A_68 = arith.constant 1 : i32
      %select_n3A_69 = arith.select %eq3A_67, %jit3A_68, %jit3A_66 : i32
      %rem3A_70 = arith.remsi %add3A_48, %select_n3A_69 : i32
      %ne3A_71 = arith.constant 0 : i32
      %ne3A_72 = arith.cmpi ne, %rem3A_70, %ne3A_71 : i32
      %lt3A = arith.constant 0 : i32
      %lt3A_73 = arith.cmpi slt, %rem3A_70, %lt3A : i32
      %lt3A_74 = arith.constant 0 : i32
      %lt3A_75 = arith.cmpi slt, %select_n3A_69, %lt3A_74 : i32
      %ne3A_76 = arith.xori %lt3A_73, %lt3A_75 : i1
      %and3A_77 = arith.andi %ne3A_76, %ne3A_72 : i1
      %add3A_78 = arith.addi %rem3A_70, %select_n3A_69 : i32
      %select_n3A_79 = arith.select %and3A_77, %add3A_78, %rem3A_70 : i32
      %mul3A_80 = arith.constant 64 : i32
      %mul3A_81 = arith.muli %select_n3A_79, %mul3A_80 : i32
      %ge3A = arith.constant 2 : i32
      %ge3A_82 = arith.cmpi sge, %add3A_48, %ge3A : i32
      %convert_element_type3A = arith.extui %ge3A_82 : i1 to i32
      %cond3A = arith.constant 0 : i32
      %cond3A_83 = arith.cmpi ne, %convert_element_type3A, %cond3A : i32
      scf.if %cond3A_83 {
        %dma_wait3A_319 = arith.constant 0 : i32
        %dma_wait3A_320 = arith.constant 0 : i32
        %dma_wait3A_321 = arith.constant 0 : i32
        %dma_wait3A_322 = tpu.memref_slice %arg7[%dma_wait3A_320, %dma_wait3A_321] : memref<128x256xf32, #tpu.memory_space<vmem>> -> memref<64x256xf32, #tpu.memory_space<vmem>>
        %dma_wait3A_323 = arith.constant 0 : i32
        %dma_wait3A_324 = tpu.memref_slice %arg4[%dma_wait3A_319, %dma_wait3A_323, %mul3A_2] : memref<50x64x16384xf32, #tpu.memory_space<hbm>> -> memref<1x64x256xf32, #tpu.memory_space<hbm>>
        %dma_wait3A_325 = tpu.memref_squeeze %dma_wait3A_324 : memref<1x64x256xf32, #tpu.memory_space<hbm>> -> memref<64x256xf32, #tpu.memory_space<hbm>>
        %dma_wait3A_326 = arith.constant 0 : i32
        %dma_wait3A_327 = tpu.memref_slice %arg4[%dma_wait3A_319, %dma_wait3A_326, %mul3A_2] : memref<50x64x16384xf32, #tpu.memory_space<hbm>> -> memref<1x64x256xf32, #tpu.memory_space<hbm>>
        %dma_wait3A_328 = tpu.memref_squeeze %dma_wait3A_327 : memref<1x64x256xf32, #tpu.memory_space<hbm>> -> memref<64x256xf32, #tpu.memory_space<hbm>>
        %dma_wait3A_329 = arith.constant 0 : i32
        %dma_wait3A_330 = arith.constant 0 : i32
        %dma_wait3A_331 = tpu.memref_slice %arg7[%dma_wait3A_329, %dma_wait3A_330] : memref<128x256xf32, #tpu.memory_space<vmem>> -> memref<64x256xf32, #tpu.memory_space<vmem>>
        tpu.wait_dma2 semaphore(%arg9 : memref<!tpu.dma_semaphore, #tpu.memory_space<semaphore_mem>>) src(%dma_wait3A_331 : memref<64x256xf32, #tpu.memory_space<vmem>>) dst(%dma_wait3A_328 : memref<64x256xf32, #tpu.memory_space<hbm>>)
      } else {
      }
      %mul3A_84 = arith.constant 256 : i32
      %mul3A_85 = arith.muli %select_n3A_79, %mul3A_84 : i32
      %add3A_86 = arith.constant 0 : i32
      %add3A_87 = arith.addi %mul3A_85, %add3A_86 : i32
      %get3A = arith.index_cast %select_n3A : i32 to index
      %get3A_88 = arith.index_cast %add3A_87 : i32 to index
      %get3A_89 = tpu.vector_load %arg6[%get3A, %get3A_88] {strides = array<i32>} : memref<50x512xi32, #tpu.memory_space<vmem>>, vector<16xi32>,
      %mul3A_90 = arith.constant 65 : i32
      %mul3A_91 = vector.broadcast %mul3A_90 : i32 to vector<16xi32>
      %mul3A_92 = arith.muli %get3A_89, %mul3A_91 : vector<16xi32>
      %add3A_93 = arith.addi %mul3A_13, %mul3A_92 : vector<16xi32>
      %parallel_loop3A = arith.constant 0 : i32
      %parallel_loop3A_94 = arith.constant 64 : i32
      %parallel_loop3A_95 = arith.constant 1 : i32
      scf.for %parallel_loop3A_319 = %parallel_loop3A to %parallel_loop3A_94 step %parallel_loop3A_95  : i32 {
        %parallel_loop3A_320 = vector.broadcast %parallel_loop3A_319 : i32 to vector<16xi32>
        %parallel_loop3A_321 = arith.addi %add3A_93, %parallel_loop3A_320 : vector<16xi32>
        %parallel_loop3A_322 = tpu.vector_load_idx %arg5[%parallel_loop3A_321] : memref<52008xf32, #tpu.memory_space<vmem>>[vector<16xi32>], vector<16xf32>,
        %parallel_loop3A_323 = arith.addi %mul3A_81, %parallel_loop3A_319 : i32
        %parallel_loop3A_324 = arith.index_cast %parallel_loop3A_323 : i32 to index
        %parallel_loop3A_325 = arith.constant 0 : index
        %parallel_loop3A_326 = tpu.vector_load %arg7[%parallel_loop3A_324, %parallel_loop3A_325] {strides = array<i32>} : memref<128x256xf32, #tpu.memory_space<vmem>>, vector<16xf32>,
        tpu.vector_store %arg7[%parallel_loop3A_324, %parallel_loop3A_325], %parallel_loop3A_322 {strides = array<i32>} : memref<128x256xf32, #tpu.memory_space<vmem>>, vector<16xf32>,
      } {sc.loop_unroll_factor = 8 : i64, sc.parallel_access}
      %mul3A_96 = arith.constant 256 : i32
      %mul3A_97 = arith.muli %select_n3A_79, %mul3A_96 : i32
      %add3A_98 = arith.constant 16 : i32
      %add3A_99 = arith.addi %mul3A_97, %add3A_98 : i32
      %get3A_100 = arith.index_cast %select_n3A : i32 to index
      %get3A_101 = arith.index_cast %add3A_99 : i32 to index
      %get3A_102 = tpu.vector_load %arg6[%get3A_100, %get3A_101] {strides = array<i32>} : memref<50x512xi32, #tpu.memory_space<vmem>>, vector<16xi32>,
      %mul3A_103 = arith.constant 65 : i32
      %mul3A_104 = vector.broadcast %mul3A_103 : i32 to vector<16xi32>
      %mul3A_105 = arith.muli %get3A_102, %mul3A_104 : vector<16xi32>
      %add3A_106 = arith.addi %mul3A_13, %mul3A_105 : vector<16xi32>
      %parallel_loop3A_107 = arith.constant 0 : i32
      %parallel_loop3A_108 = arith.constant 64 : i32
      %parallel_loop3A_109 = arith.constant 1 : i32
      scf.for %parallel_loop3A_319 = %parallel_loop3A_107 to %parallel_loop3A_108 step %parallel_loop3A_109  : i32 {
        %parallel_loop3A_320 = vector.broadcast %parallel_loop3A_319 : i32 to vector<16xi32>
        %parallel_loop3A_321 = arith.addi %add3A_106, %parallel_loop3A_320 : vector<16xi32>
        %parallel_loop3A_322 = tpu.vector_load_idx %arg5[%parallel_loop3A_321] : memref<52008xf32, #tpu.memory_space<vmem>>[vector<16xi32>], vector<16xf32>,
        %parallel_loop3A_323 = arith.addi %mul3A_81, %parallel_loop3A_319 : i32
        %parallel_loop3A_324 = arith.index_cast %parallel_loop3A_323 : i32 to index
        %parallel_loop3A_325 = arith.constant 16 : index
        %parallel_loop3A_326 = tpu.vector_load %arg7[%parallel_loop3A_324, %parallel_loop3A_325] {strides = array<i32>} : memref<128x256xf32, #tpu.memory_space<vmem>>, vector<16xf32>,
        tpu.vector_store %arg7[%parallel_loop3A_324, %parallel_loop3A_325], %parallel_loop3A_322 {strides = array<i32>} : memref<128x256xf32, #tpu.memory_space<vmem>>, vector<16xf32>,
      } {sc.loop_unroll_factor = 8 : i64, sc.parallel_access}
      %mul3A_110 = arith.constant 256 : i32
      %mul3A_111 = arith.muli %select_n3A_79, %mul3A_110 : i32
      %add3A_112 = arith.constant 32 : i32
      %add3A_113 = arith.addi %mul3A_111, %add3A_112 : i32
      %get3A_114 = arith.index_cast %select_n3A : i32 to index
      %get3A_115 = arith.index_cast %add3A_113 : i32 to index
      %get3A_116 = tpu.vector_load %arg6[%get3A_114, %get3A_115] {strides = array<i32>} : memref<50x512xi32, #tpu.memory_space<vmem>>, vector<16xi32>,
      %mul3A_117 = arith.constant 65 : i32
      %mul3A_118 = vector.broadcast %mul3A_117 : i32 to vector<16xi32>
      %mul3A_119 = arith.muli %get3A_116, %mul3A_118 : vector<16xi32>
      %add3A_120 = arith.addi %mul3A_13, %mul3A_119 : vector<16xi32>
      %parallel_loop3A_121 = arith.constant 0 : i32
      %parallel_loop3A_122 = arith.constant 64 : i32
      %parallel_loop3A_123 = arith.constant 1 : i32
      scf.for %parallel_loop3A_319 = %parallel_loop3A_121 to %parallel_loop3A_122 step %parallel_loop3A_123  : i32 {
        %parallel_loop3A_320 = vector.broadcast %parallel_loop3A_319 : i32 to vector<16xi32>
        %parallel_loop3A_321 = arith.addi %add3A_120, %parallel_loop3A_320 : vector<16xi32>
        %parallel_loop3A_322 = tpu.vector_load_idx %arg5[%parallel_loop3A_321] : memref<52008xf32, #tpu.memory_space<vmem>>[vector<16xi32>], vector<16xf32>,
        %parallel_loop3A_323 = arith.addi %mul3A_81, %parallel_loop3A_319 : i32
        %parallel_loop3A_324 = arith.index_cast %parallel_loop3A_323 : i32 to index
        %parallel_loop3A_325 = arith.constant 32 : index
        %parallel_loop3A_326 = tpu.vector_load %arg7[%parallel_loop3A_324, %parallel_loop3A_325] {strides = array<i32>} : memref<128x256xf32, #tpu.memory_space<vmem>>, vector<16xf32>,
        tpu.vector_store %arg7[%parallel_loop3A_324, %parallel_loop3A_325], %parallel_loop3A_322 {strides = array<i32>} : memref<128x256xf32, #tpu.memory_space<vmem>>, vector<16xf32>,
      } {sc.loop_unroll_factor = 8 : i64, sc.parallel_access}
      %mul3A_124 = arith.constant 256 : i32
      %mul3A_125 = arith.muli %select_n3A_79, %mul3A_124 : i32
      %add3A_126 = arith.constant 48 : i32
      %add3A_127 = arith.addi %mul3A_125, %add3A_126 : i32
      %get3A_128 = arith.index_cast %select_n3A : i32 to index
      %get3A_129 = arith.index_cast %add3A_127 : i32 to index
      %get3A_130 = tpu.vector_load %arg6[%get3A_128, %get3A_129] {strides = array<i32>} : memref<50x512xi32, #tpu.memory_space<vmem>>, vector<16xi32>,
      %mul3A_131 = arith.constant 65 : i32
      %mul3A_132 = vector.broadcast %mul3A_131 : i32 to vector<16xi32>
      %mul3A_133 = arith.muli %get3A_130, %mul3A_132 : vector<16xi32>
      %add3A_134 = arith.addi %mul3A_13, %mul3A_133 : vector<16xi32>
      %parallel_loop3A_135 = arith.constant 0 : i32
      %parallel_loop3A_136 = arith.constant 64 : i32
      %parallel_loop3A_137 = arith.constant 1 : i32
      scf.for %parallel_loop3A_319 = %parallel_loop3A_135 to %parallel_loop3A_136 step %parallel_loop3A_137  : i32 {
        %parallel_loop3A_320 = vector.broadcast %parallel_loop3A_319 : i32 to vector<16xi32>
        %parallel_loop3A_321 = arith.addi %add3A_134, %parallel_loop3A_320 : vector<16xi32>
        %parallel_loop3A_322 = tpu.vector_load_idx %arg5[%parallel_loop3A_321] : memref<52008xf32, #tpu.memory_space<vmem>>[vector<16xi32>], vector<16xf32>,
        %parallel_loop3A_323 = arith.addi %mul3A_81, %parallel_loop3A_319 : i32
        %parallel_loop3A_324 = arith.index_cast %parallel_loop3A_323 : i32 to index
        %parallel_loop3A_325 = arith.constant 48 : index
        %parallel_loop3A_326 = tpu.vector_load %arg7[%parallel_loop3A_324, %parallel_loop3A_325] {strides = array<i32>} : memref<128x256xf32, #tpu.memory_space<vmem>>, vector<16xf32>,
        tpu.vector_store %arg7[%parallel_loop3A_324, %parallel_loop3A_325], %parallel_loop3A_322 {strides = array<i32>} : memref<128x256xf32, #tpu.memory_space<vmem>>, vector<16xf32>,
      } {sc.loop_unroll_factor = 8 : i64, sc.parallel_access}
      %mul3A_138 = arith.constant 256 : i32
      %mul3A_139 = arith.muli %select_n3A_79, %mul3A_138 : i32
      %add3A_140 = arith.constant 64 : i32
      %add3A_141 = arith.addi %mul3A_139, %add3A_140 : i32
      %get3A_142 = arith.index_cast %select_n3A : i32 to index
      %get3A_143 = arith.index_cast %add3A_141 : i32 to index
      %get3A_144 = tpu.vector_load %arg6[%get3A_142, %get3A_143] {strides = array<i32>} : memref<50x512xi32, #tpu.memory_space<vmem>>, vector<16xi32>,
      %mul3A_145 = arith.constant 65 : i32
      %mul3A_146 = vector.broadcast %mul3A_145 : i32 to vector<16xi32>
      %mul3A_147 = arith.muli %get3A_144, %mul3A_146 : vector<16xi32>
      %add3A_148 = arith.addi %mul3A_13, %mul3A_147 : vector<16xi32>
      %parallel_loop3A_149 = arith.constant 0 : i32
      %parallel_loop3A_150 = arith.constant 64 : i32
      %parallel_loop3A_151 = arith.constant 1 : i32
      scf.for %parallel_loop3A_319 = %parallel_loop3A_149 to %parallel_loop3A_150 step %parallel_loop3A_151  : i32 {
        %parallel_loop3A_320 = vector.broadcast %parallel_loop3A_319 : i32 to vector<16xi32>
        %parallel_loop3A_321 = arith.addi %add3A_148, %parallel_loop3A_320 : vector<16xi32>
        %parallel_loop3A_322 = tpu.vector_load_idx %arg5[%parallel_loop3A_321] : memref<52008xf32, #tpu.memory_space<vmem>>[vector<16xi32>], vector<16xf32>,
        %parallel_loop3A_323 = arith.addi %mul3A_81, %parallel_loop3A_319 : i32
        %parallel_loop3A_324 = arith.index_cast %parallel_loop3A_323 : i32 to index
        %parallel_loop3A_325 = arith.constant 64 : index
        %parallel_loop3A_326 = tpu.vector_load %arg7[%parallel_loop3A_324, %parallel_loop3A_325] {strides = array<i32>} : memref<128x256xf32, #tpu.memory_space<vmem>>, vector<16xf32>,
        tpu.vector_store %arg7[%parallel_loop3A_324, %parallel_loop3A_325], %parallel_loop3A_322 {strides = array<i32>} : memref<128x256xf32, #tpu.memory_space<vmem>>, vector<16xf32>,
      } {sc.loop_unroll_factor = 8 : i64, sc.parallel_access}
      %mul3A_152 = arith.constant 256 : i32
      %mul3A_153 = arith.muli %select_n3A_79, %mul3A_152 : i32
      %add3A_154 = arith.constant 80 : i32
      %add3A_155 = arith.addi %mul3A_153, %add3A_154 : i32
      %get3A_156 = arith.index_cast %select_n3A : i32 to index
      %get3A_157 = arith.index_cast %add3A_155 : i32 to index
      %get3A_158 = tpu.vector_load %arg6[%get3A_156, %get3A_157] {strides = array<i32>} : memref<50x512xi32, #tpu.memory_space<vmem>>, vector<16xi32>,
      %mul3A_159 = arith.constant 65 : i32
      %mul3A_160 = vector.broadcast %mul3A_159 : i32 to vector<16xi32>
      %mul3A_161 = arith.muli %get3A_158, %mul3A_160 : vector<16xi32>
      %add3A_162 = arith.addi %mul3A_13, %mul3A_161 : vector<16xi32>
      %parallel_loop3A_163 = arith.constant 0 : i32
      %parallel_loop3A_164 = arith.constant 64 : i32
      %parallel_loop3A_165 = arith.constant 1 : i32
      scf.for %parallel_loop3A_319 = %parallel_loop3A_163 to %parallel_loop3A_164 step %parallel_loop3A_165  : i32 {
        %parallel_loop3A_320 = vector.broadcast %parallel_loop3A_319 : i32 to vector<16xi32>
        %parallel_loop3A_321 = arith.addi %add3A_162, %parallel_loop3A_320 : vector<16xi32>
        %parallel_loop3A_322 = tpu.vector_load_idx %arg5[%parallel_loop3A_321] : memref<52008xf32, #tpu.memory_space<vmem>>[vector<16xi32>], vector<16xf32>,
        %parallel_loop3A_323 = arith.addi %mul3A_81, %parallel_loop3A_319 : i32
        %parallel_loop3A_324 = arith.index_cast %parallel_loop3A_323 : i32 to index
        %parallel_loop3A_325 = arith.constant 80 : index
        %parallel_loop3A_326 = tpu.vector_load %arg7[%parallel_loop3A_324, %parallel_loop3A_325] {strides = array<i32>} : memref<128x256xf32, #tpu.memory_space<vmem>>, vector<16xf32>,
        tpu.vector_store %arg7[%parallel_loop3A_324, %parallel_loop3A_325], %parallel_loop3A_322 {strides = array<i32>} : memref<128x256xf32, #tpu.memory_space<vmem>>, vector<16xf32>,
      } {sc.loop_unroll_factor = 8 : i64, sc.parallel_access}
      %mul3A_166 = arith.constant 256 : i32
      %mul3A_167 = arith.muli %select_n3A_79, %mul3A_166 : i32
      %add3A_168 = arith.constant 96 : i32
      %add3A_169 = arith.addi %mul3A_167, %add3A_168 : i32
      %get3A_170 = arith.index_cast %select_n3A : i32 to index
      %get3A_171 = arith.index_cast %add3A_169 : i32 to index
      %get3A_172 = tpu.vector_load %arg6[%get3A_170, %get3A_171] {strides = array<i32>} : memref<50x512xi32, #tpu.memory_space<vmem>>, vector<16xi32>,
      %mul3A_173 = arith.constant 65 : i32
      %mul3A_174 = vector.broadcast %mul3A_173 : i32 to vector<16xi32>
      %mul3A_175 = arith.muli %get3A_172, %mul3A_174 : vector<16xi32>
      %add3A_176 = arith.addi %mul3A_13, %mul3A_175 : vector<16xi32>
      %parallel_loop3A_177 = arith.constant 0 : i32
      %parallel_loop3A_178 = arith.constant 64 : i32
      %parallel_loop3A_179 = arith.constant 1 : i32
      scf.for %parallel_loop3A_319 = %parallel_loop3A_177 to %parallel_loop3A_178 step %parallel_loop3A_179  : i32 {
        %parallel_loop3A_320 = vector.broadcast %parallel_loop3A_319 : i32 to vector<16xi32>
        %parallel_loop3A_321 = arith.addi %add3A_176, %parallel_loop3A_320 : vector<16xi32>
        %parallel_loop3A_322 = tpu.vector_load_idx %arg5[%parallel_loop3A_321] : memref<52008xf32, #tpu.memory_space<vmem>>[vector<16xi32>], vector<16xf32>,
        %parallel_loop3A_323 = arith.addi %mul3A_81, %parallel_loop3A_319 : i32
        %parallel_loop3A_324 = arith.index_cast %parallel_loop3A_323 : i32 to index
        %parallel_loop3A_325 = arith.constant 96 : index
        %parallel_loop3A_326 = tpu.vector_load %arg7[%parallel_loop3A_324, %parallel_loop3A_325] {strides = array<i32>} : memref<128x256xf32, #tpu.memory_space<vmem>>, vector<16xf32>,
        tpu.vector_store %arg7[%parallel_loop3A_324, %parallel_loop3A_325], %parallel_loop3A_322 {strides = array<i32>} : memref<128x256xf32, #tpu.memory_space<vmem>>, vector<16xf32>,
      } {sc.loop_unroll_factor = 8 : i64, sc.parallel_access}
      %mul3A_180 = arith.constant 256 : i32
      %mul3A_181 = arith.muli %select_n3A_79, %mul3A_180 : i32
      %add3A_182 = arith.constant 112 : i32
      %add3A_183 = arith.addi %mul3A_181, %add3A_182 : i32
      %get3A_184 = arith.index_cast %select_n3A : i32 to index
      %get3A_185 = arith.index_cast %add3A_183 : i32 to index
      %get3A_186 = tpu.vector_load %arg6[%get3A_184, %get3A_185] {strides = array<i32>} : memref<50x512xi32, #tpu.memory_space<vmem>>, vector<16xi32>,
      %mul3A_187 = arith.constant 65 : i32
      %mul3A_188 = vector.broadcast %mul3A_187 : i32 to vector<16xi32>
      %mul3A_189 = arith.muli %get3A_186, %mul3A_188 : vector<16xi32>
      %add3A_190 = arith.addi %mul3A_13, %mul3A_189 : vector<16xi32>
      %parallel_loop3A_191 = arith.constant 0 : i32
      %parallel_loop3A_192 = arith.constant 64 : i32
      %parallel_loop3A_193 = arith.constant 1 : i32
      scf.for %parallel_loop3A_319 = %parallel_loop3A_191 to %parallel_loop3A_192 step %parallel_loop3A_193  : i32 {
        %parallel_loop3A_320 = vector.broadcast %parallel_loop3A_319 : i32 to vector<16xi32>
        %parallel_loop3A_321 = arith.addi %add3A_190, %parallel_loop3A_320 : vector<16xi32>
        %parallel_loop3A_322 = tpu.vector_load_idx %arg5[%parallel_loop3A_321] : memref<52008xf32, #tpu.memory_space<vmem>>[vector<16xi32>], vector<16xf32>,
        %parallel_loop3A_323 = arith.addi %mul3A_81, %parallel_loop3A_319 : i32
        %parallel_loop3A_324 = arith.index_cast %parallel_loop3A_323 : i32 to index
        %parallel_loop3A_325 = arith.constant 112 : index
        %parallel_loop3A_326 = tpu.vector_load %arg7[%parallel_loop3A_324, %parallel_loop3A_325] {strides = array<i32>} : memref<128x256xf32, #tpu.memory_space<vmem>>, vector<16xf32>,
        tpu.vector_store %arg7[%parallel_loop3A_324, %parallel_loop3A_325], %parallel_loop3A_322 {strides = array<i32>} : memref<128x256xf32, #tpu.memory_space<vmem>>, vector<16xf32>,
      } {sc.loop_unroll_factor = 8 : i64, sc.parallel_access}
      %mul3A_194 = arith.constant 256 : i32
      %mul3A_195 = arith.muli %select_n3A_79, %mul3A_194 : i32
      %add3A_196 = arith.constant 128 : i32
      %add3A_197 = arith.addi %mul3A_195, %add3A_196 : i32
      %get3A_198 = arith.index_cast %select_n3A : i32 to index
      %get3A_199 = arith.index_cast %add3A_197 : i32 to index
      %get3A_200 = tpu.vector_load %arg6[%get3A_198, %get3A_199] {strides = array<i32>} : memref<50x512xi32, #tpu.memory_space<vmem>>, vector<16xi32>,
      %mul3A_201 = arith.constant 65 : i32
      %mul3A_202 = vector.broadcast %mul3A_201 : i32 to vector<16xi32>
      %mul3A_203 = arith.muli %get3A_200, %mul3A_202 : vector<16xi32>
      %add3A_204 = arith.addi %mul3A_13, %mul3A_203 : vector<16xi32>
      %parallel_loop3A_205 = arith.constant 0 : i32
      %parallel_loop3A_206 = arith.constant 64 : i32
      %parallel_loop3A_207 = arith.constant 1 : i32
      scf.for %parallel_loop3A_319 = %parallel_loop3A_205 to %parallel_loop3A_206 step %parallel_loop3A_207  : i32 {
        %parallel_loop3A_320 = vector.broadcast %parallel_loop3A_319 : i32 to vector<16xi32>
        %parallel_loop3A_321 = arith.addi %add3A_204, %parallel_loop3A_320 : vector<16xi32>
        %parallel_loop3A_322 = tpu.vector_load_idx %arg5[%parallel_loop3A_321] : memref<52008xf32, #tpu.memory_space<vmem>>[vector<16xi32>], vector<16xf32>,
        %parallel_loop3A_323 = arith.addi %mul3A_81, %parallel_loop3A_319 : i32
        %parallel_loop3A_324 = arith.index_cast %parallel_loop3A_323 : i32 to index
        %parallel_loop3A_325 = arith.constant 128 : index
        %parallel_loop3A_326 = tpu.vector_load %arg7[%parallel_loop3A_324, %parallel_loop3A_325] {strides = array<i32>} : memref<128x256xf32, #tpu.memory_space<vmem>>, vector<16xf32>,
        tpu.vector_store %arg7[%parallel_loop3A_324, %parallel_loop3A_325], %parallel_loop3A_322 {strides = array<i32>} : memref<128x256xf32, #tpu.memory_space<vmem>>, vector<16xf32>,
      } {sc.loop_unroll_factor = 8 : i64, sc.parallel_access}
      %mul3A_208 = arith.constant 256 : i32
      %mul3A_209 = arith.muli %select_n3A_79, %mul3A_208 : i32
      %add3A_210 = arith.constant 144 : i32
      %add3A_211 = arith.addi %mul3A_209, %add3A_210 : i32
      %get3A_212 = arith.index_cast %select_n3A : i32 to index
      %get3A_213 = arith.index_cast %add3A_211 : i32 to index
      %get3A_214 = tpu.vector_load %arg6[%get3A_212, %get3A_213] {strides = array<i32>} : memref<50x512xi32, #tpu.memory_space<vmem>>, vector<16xi32>,
      %mul3A_215 = arith.constant 65 : i32
      %mul3A_216 = vector.broadcast %mul3A_215 : i32 to vector<16xi32>
      %mul3A_217 = arith.muli %get3A_214, %mul3A_216 : vector<16xi32>
      %add3A_218 = arith.addi %mul3A_13, %mul3A_217 : vector<16xi32>
      %parallel_loop3A_219 = arith.constant 0 : i32
      %parallel_loop3A_220 = arith.constant 64 : i32
      %parallel_loop3A_221 = arith.constant 1 : i32
      scf.for %parallel_loop3A_319 = %parallel_loop3A_219 to %parallel_loop3A_220 step %parallel_loop3A_221  : i32 {
        %parallel_loop3A_320 = vector.broadcast %parallel_loop3A_319 : i32 to vector<16xi32>
        %parallel_loop3A_321 = arith.addi %add3A_218, %parallel_loop3A_320 : vector<16xi32>
        %parallel_loop3A_322 = tpu.vector_load_idx %arg5[%parallel_loop3A_321] : memref<52008xf32, #tpu.memory_space<vmem>>[vector<16xi32>], vector<16xf32>,
        %parallel_loop3A_323 = arith.addi %mul3A_81, %parallel_loop3A_319 : i32
        %parallel_loop3A_324 = arith.index_cast %parallel_loop3A_323 : i32 to index
        %parallel_loop3A_325 = arith.constant 144 : index
        %parallel_loop3A_326 = tpu.vector_load %arg7[%parallel_loop3A_324, %parallel_loop3A_325] {strides = array<i32>} : memref<128x256xf32, #tpu.memory_space<vmem>>, vector<16xf32>,
        tpu.vector_store %arg7[%parallel_loop3A_324, %parallel_loop3A_325], %parallel_loop3A_322 {strides = array<i32>} : memref<128x256xf32, #tpu.memory_space<vmem>>, vector<16xf32>,
      } {sc.loop_unroll_factor = 8 : i64, sc.parallel_access}
      %mul3A_222 = arith.constant 256 : i32
      %mul3A_223 = arith.muli %select_n3A_79, %mul3A_222 : i32
      %add3A_224 = arith.constant 160 : i32
      %add3A_225 = arith.addi %mul3A_223, %add3A_224 : i32
      %get3A_226 = arith.index_cast %select_n3A : i32 to index
      %get3A_227 = arith.index_cast %add3A_225 : i32 to index
      %get3A_228 = tpu.vector_load %arg6[%get3A_226, %get3A_227] {strides = array<i32>} : memref<50x512xi32, #tpu.memory_space<vmem>>, vector<16xi32>,
      %mul3A_229 = arith.constant 65 : i32
      %mul3A_230 = vector.broadcast %mul3A_229 : i32 to vector<16xi32>
      %mul3A_231 = arith.muli %get3A_228, %mul3A_230 : vector<16xi32>
      %add3A_232 = arith.addi %mul3A_13, %mul3A_231 : vector<16xi32>
      %parallel_loop3A_233 = arith.constant 0 : i32
      %parallel_loop3A_234 = arith.constant 64 : i32
      %parallel_loop3A_235 = arith.constant 1 : i32
      scf.for %parallel_loop3A_319 = %parallel_loop3A_233 to %parallel_loop3A_234 step %parallel_loop3A_235  : i32 {
        %parallel_loop3A_320 = vector.broadcast %parallel_loop3A_319 : i32 to vector<16xi32>
        %parallel_loop3A_321 = arith.addi %add3A_232, %parallel_loop3A_320 : vector<16xi32>
        %parallel_loop3A_322 = tpu.vector_load_idx %arg5[%parallel_loop3A_321] : memref<52008xf32, #tpu.memory_space<vmem>>[vector<16xi32>], vector<16xf32>,
        %parallel_loop3A_323 = arith.addi %mul3A_81, %parallel_loop3A_319 : i32
        %parallel_loop3A_324 = arith.index_cast %parallel_loop3A_323 : i32 to index
        %parallel_loop3A_325 = arith.constant 160 : index
        %parallel_loop3A_326 = tpu.vector_load %arg7[%parallel_loop3A_324, %parallel_loop3A_325] {strides = array<i32>} : memref<128x256xf32, #tpu.memory_space<vmem>>, vector<16xf32>,
        tpu.vector_store %arg7[%parallel_loop3A_324, %parallel_loop3A_325], %parallel_loop3A_322 {strides = array<i32>} : memref<128x256xf32, #tpu.memory_space<vmem>>, vector<16xf32>,
      } {sc.loop_unroll_factor = 8 : i64, sc.parallel_access}
      %mul3A_236 = arith.constant 256 : i32
      %mul3A_237 = arith.muli %select_n3A_79, %mul3A_236 : i32
      %add3A_238 = arith.constant 176 : i32
      %add3A_239 = arith.addi %mul3A_237, %add3A_238 : i32
      %get3A_240 = arith.index_cast %select_n3A : i32 to index
      %get3A_241 = arith.index_cast %add3A_239 : i32 to index
      %get3A_242 = tpu.vector_load %arg6[%get3A_240, %get3A_241] {strides = array<i32>} : memref<50x512xi32, #tpu.memory_space<vmem>>, vector<16xi32>,
      %mul3A_243 = arith.constant 65 : i32
      %mul3A_244 = vector.broadcast %mul3A_243 : i32 to vector<16xi32>
      %mul3A_245 = arith.muli %get3A_242, %mul3A_244 : vector<16xi32>
      %add3A_246 = arith.addi %mul3A_13, %mul3A_245 : vector<16xi32>
      %parallel_loop3A_247 = arith.constant 0 : i32
      %parallel_loop3A_248 = arith.constant 64 : i32
      %parallel_loop3A_249 = arith.constant 1 : i32
      scf.for %parallel_loop3A_319 = %parallel_loop3A_247 to %parallel_loop3A_248 step %parallel_loop3A_249  : i32 {
        %parallel_loop3A_320 = vector.broadcast %parallel_loop3A_319 : i32 to vector<16xi32>
        %parallel_loop3A_321 = arith.addi %add3A_246, %parallel_loop3A_320 : vector<16xi32>
        %parallel_loop3A_322 = tpu.vector_load_idx %arg5[%parallel_loop3A_321] : memref<52008xf32, #tpu.memory_space<vmem>>[vector<16xi32>], vector<16xf32>,
        %parallel_loop3A_323 = arith.addi %mul3A_81, %parallel_loop3A_319 : i32
        %parallel_loop3A_324 = arith.index_cast %parallel_loop3A_323 : i32 to index
        %parallel_loop3A_325 = arith.constant 176 : index
        %parallel_loop3A_326 = tpu.vector_load %arg7[%parallel_loop3A_324, %parallel_loop3A_325] {strides = array<i32>} : memref<128x256xf32, #tpu.memory_space<vmem>>, vector<16xf32>,
        tpu.vector_store %arg7[%parallel_loop3A_324, %parallel_loop3A_325], %parallel_loop3A_322 {strides = array<i32>} : memref<128x256xf32, #tpu.memory_space<vmem>>, vector<16xf32>,
      } {sc.loop_unroll_factor = 8 : i64, sc.parallel_access}
      %mul3A_250 = arith.constant 256 : i32
      %mul3A_251 = arith.muli %select_n3A_79, %mul3A_250 : i32
      %add3A_252 = arith.constant 192 : i32
      %add3A_253 = arith.addi %mul3A_251, %add3A_252 : i32
      %get3A_254 = arith.index_cast %select_n3A : i32 to index
      %get3A_255 = arith.index_cast %add3A_253 : i32 to index
      %get3A_256 = tpu.vector_load %arg6[%get3A_254, %get3A_255] {strides = array<i32>} : memref<50x512xi32, #tpu.memory_space<vmem>>, vector<16xi32>,
      %mul3A_257 = arith.constant 65 : i32
      %mul3A_258 = vector.broadcast %mul3A_257 : i32 to vector<16xi32>
      %mul3A_259 = arith.muli %get3A_256, %mul3A_258 : vector<16xi32>
      %add3A_260 = arith.addi %mul3A_13, %mul3A_259 : vector<16xi32>
      %parallel_loop3A_261 = arith.constant 0 : i32
      %parallel_loop3A_262 = arith.constant 64 : i32
      %parallel_loop3A_263 = arith.constant 1 : i32
      scf.for %parallel_loop3A_319 = %parallel_loop3A_261 to %parallel_loop3A_262 step %parallel_loop3A_263  : i32 {
        %parallel_loop3A_320 = vector.broadcast %parallel_loop3A_319 : i32 to vector<16xi32>
        %parallel_loop3A_321 = arith.addi %add3A_260, %parallel_loop3A_320 : vector<16xi32>
        %parallel_loop3A_322 = tpu.vector_load_idx %arg5[%parallel_loop3A_321] : memref<52008xf32, #tpu.memory_space<vmem>>[vector<16xi32>], vector<16xf32>,
        %parallel_loop3A_323 = arith.addi %mul3A_81, %parallel_loop3A_319 : i32
        %parallel_loop3A_324 = arith.index_cast %parallel_loop3A_323 : i32 to index
        %parallel_loop3A_325 = arith.constant 192 : index
        %parallel_loop3A_326 = tpu.vector_load %arg7[%parallel_loop3A_324, %parallel_loop3A_325] {strides = array<i32>} : memref<128x256xf32, #tpu.memory_space<vmem>>, vector<16xf32>,
        tpu.vector_store %arg7[%parallel_loop3A_324, %parallel_loop3A_325], %parallel_loop3A_322 {strides = array<i32>} : memref<128x256xf32, #tpu.memory_space<vmem>>, vector<16xf32>,
      } {sc.loop_unroll_factor = 8 : i64, sc.parallel_access}
      %mul3A_264 = arith.constant 256 : i32
      %mul3A_265 = arith.muli %select_n3A_79, %mul3A_264 : i32
      %add3A_266 = arith.constant 208 : i32
      %add3A_267 = arith.addi %mul3A_265, %add3A_266 : i32
      %get3A_268 = arith.index_cast %select_n3A : i32 to index
      %get3A_269 = arith.index_cast %add3A_267 : i32 to index
      %get3A_270 = tpu.vector_load %arg6[%get3A_268, %get3A_269] {strides = array<i32>} : memref<50x512xi32, #tpu.memory_space<vmem>>, vector<16xi32>,
      %mul3A_271 = arith.constant 65 : i32
      %mul3A_272 = vector.broadcast %mul3A_271 : i32 to vector<16xi32>
      %mul3A_273 = arith.muli %get3A_270, %mul3A_272 : vector<16xi32>
      %add3A_274 = arith.addi %mul3A_13, %mul3A_273 : vector<16xi32>
      %parallel_loop3A_275 = arith.constant 0 : i32
      %parallel_loop3A_276 = arith.constant 64 : i32
      %parallel_loop3A_277 = arith.constant 1 : i32
      scf.for %parallel_loop3A_319 = %parallel_loop3A_275 to %parallel_loop3A_276 step %parallel_loop3A_277  : i32 {
        %parallel_loop3A_320 = vector.broadcast %parallel_loop3A_319 : i32 to vector<16xi32>
        %parallel_loop3A_321 = arith.addi %add3A_274, %parallel_loop3A_320 : vector<16xi32>
        %parallel_loop3A_322 = tpu.vector_load_idx %arg5[%parallel_loop3A_321] : memref<52008xf32, #tpu.memory_space<vmem>>[vector<16xi32>], vector<16xf32>,
        %parallel_loop3A_323 = arith.addi %mul3A_81, %parallel_loop3A_319 : i32
        %parallel_loop3A_324 = arith.index_cast %parallel_loop3A_323 : i32 to index
        %parallel_loop3A_325 = arith.constant 208 : index
        %parallel_loop3A_326 = tpu.vector_load %arg7[%parallel_loop3A_324, %parallel_loop3A_325] {strides = array<i32>} : memref<128x256xf32, #tpu.memory_space<vmem>>, vector<16xf32>,
        tpu.vector_store %arg7[%parallel_loop3A_324, %parallel_loop3A_325], %parallel_loop3A_322 {strides = array<i32>} : memref<128x256xf32, #tpu.memory_space<vmem>>, vector<16xf32>,
      } {sc.loop_unroll_factor = 8 : i64, sc.parallel_access}
      %mul3A_278 = arith.constant 256 : i32
      %mul3A_279 = arith.muli %select_n3A_79, %mul3A_278 : i32
      %add3A_280 = arith.constant 224 : i32
      %add3A_281 = arith.addi %mul3A_279, %add3A_280 : i32
      %get3A_282 = arith.index_cast %select_n3A : i32 to index
      %get3A_283 = arith.index_cast %add3A_281 : i32 to index
      %get3A_284 = tpu.vector_load %arg6[%get3A_282, %get3A_283] {strides = array<i32>} : memref<50x512xi32, #tpu.memory_space<vmem>>, vector<16xi32>,
      %mul3A_285 = arith.constant 65 : i32
      %mul3A_286 = vector.broadcast %mul3A_285 : i32 to vector<16xi32>
      %mul3A_287 = arith.muli %get3A_284, %mul3A_286 : vector<16xi32>
      %add3A_288 = arith.addi %mul3A_13, %mul3A_287 : vector<16xi32>
      %parallel_loop3A_289 = arith.constant 0 : i32
      %parallel_loop3A_290 = arith.constant 64 : i32
      %parallel_loop3A_291 = arith.constant 1 : i32
      scf.for %parallel_loop3A_319 = %parallel_loop3A_289 to %parallel_loop3A_290 step %parallel_loop3A_291  : i32 {
        %parallel_loop3A_320 = vector.broadcast %parallel_loop3A_319 : i32 to vector<16xi32>
        %parallel_loop3A_321 = arith.addi %add3A_288, %parallel_loop3A_320 : vector<16xi32>
        %parallel_loop3A_322 = tpu.vector_load_idx %arg5[%parallel_loop3A_321] : memref<52008xf32, #tpu.memory_space<vmem>>[vector<16xi32>], vector<16xf32>,
        %parallel_loop3A_323 = arith.addi %mul3A_81, %parallel_loop3A_319 : i32
        %parallel_loop3A_324 = arith.index_cast %parallel_loop3A_323 : i32 to index
        %parallel_loop3A_325 = arith.constant 224 : index
        %parallel_loop3A_326 = tpu.vector_load %arg7[%parallel_loop3A_324, %parallel_loop3A_325] {strides = array<i32>} : memref<128x256xf32, #tpu.memory_space<vmem>>, vector<16xf32>,
        tpu.vector_store %arg7[%parallel_loop3A_324, %parallel_loop3A_325], %parallel_loop3A_322 {strides = array<i32>} : memref<128x256xf32, #tpu.memory_space<vmem>>, vector<16xf32>,
      } {sc.loop_unroll_factor = 8 : i64, sc.parallel_access}
      %mul3A_292 = arith.constant 256 : i32
      %mul3A_293 = arith.muli %select_n3A_79, %mul3A_292 : i32
      %add3A_294 = arith.constant 240 : i32
      %add3A_295 = arith.addi %mul3A_293, %add3A_294 : i32
      %get3A_296 = arith.index_cast %select_n3A : i32 to index
      %get3A_297 = arith.index_cast %add3A_295 : i32 to index
      %get3A_298 = tpu.vector_load %arg6[%get3A_296, %get3A_297] {strides = array<i32>} : memref<50x512xi32, #tpu.memory_space<vmem>>, vector<16xi32>,
      %mul3A_299 = arith.constant 65 : i32
      %mul3A_300 = vector.broadcast %mul3A_299 : i32 to vector<16xi32>
      %mul3A_301 = arith.muli %get3A_298, %mul3A_300 : vector<16xi32>
      %add3A_302 = arith.addi %mul3A_13, %mul3A_301 : vector<16xi32>
      %parallel_loop3A_303 = arith.constant 0 : i32
      %parallel_loop3A_304 = arith.constant 64 : i32
      %parallel_loop3A_305 = arith.constant 1 : i32
      scf.for %parallel_loop3A_319 = %parallel_loop3A_303 to %parallel_loop3A_304 step %parallel_loop3A_305  : i32 {
        %parallel_loop3A_320 = vector.broadcast %parallel_loop3A_319 : i32 to vector<16xi32>
        %parallel_loop3A_321 = arith.addi %add3A_302, %parallel_loop3A_320 : vector<16xi32>
        %parallel_loop3A_322 = tpu.vector_load_idx %arg5[%parallel_loop3A_321] : memref<52008xf32, #tpu.memory_space<vmem>>[vector<16xi32>], vector<16xf32>,
        %parallel_loop3A_323 = arith.addi %mul3A_81, %parallel_loop3A_319 : i32
        %parallel_loop3A_324 = arith.index_cast %parallel_loop3A_323 : i32 to index
        %parallel_loop3A_325 = arith.constant 240 : index
        %parallel_loop3A_326 = tpu.vector_load %arg7[%parallel_loop3A_324, %parallel_loop3A_325] {strides = array<i32>} : memref<128x256xf32, #tpu.memory_space<vmem>>, vector<16xf32>,
        tpu.vector_store %arg7[%parallel_loop3A_324, %parallel_loop3A_325], %parallel_loop3A_322 {strides = array<i32>} : memref<128x256xf32, #tpu.memory_space<vmem>>, vector<16xf32>,
      } {sc.loop_unroll_factor = 8 : i64, sc.parallel_access}
      %mul3A_306 = arith.constant 256 : i32
      %mul3A_307 = arith.muli %select_n3A_79, %mul3A_306 : i32
      %add3A_308 = arith.addi %mul3A_2, %mul3A_307 : i32
      %dma_start3A_309 = arith.constant 0 : i32
      %dma_start3A_310 = tpu.memref_slice %arg7[%mul3A_81, %dma_start3A_309] : memref<128x256xf32, #tpu.memory_space<vmem>> -> memref<64x256xf32, #tpu.memory_space<vmem>>
      %dma_start3A_311 = arith.constant 0 : i32
      %dma_start3A_312 = tpu.memref_slice %arg4[%select_n3A, %dma_start3A_311, %add3A_308] : memref<50x64x16384xf32, #tpu.memory_space<hbm>> -> memref<1x64x256xf32, #tpu.memory_space<hbm>>
      %dma_start3A_313 = tpu.memref_squeeze %dma_start3A_312 : memref<1x64x256xf32, #tpu.memory_space<hbm>> -> memref<64x256xf32, #tpu.memory_space<hbm>>
      %dma_start3A_314 = arith.constant 0 : i32
      %dma_start3A_315 = tpu.memref_slice %arg4[%select_n3A, %dma_start3A_314, %add3A_308] : memref<50x64x16384xf32, #tpu.memory_space<hbm>> -> memref<1x64x256xf32, #tpu.memory_space<hbm>>
      %dma_start3A_316 = tpu.memref_squeeze %dma_start3A_315 : memref<1x64x256xf32, #tpu.memory_space<hbm>> -> memref<64x256xf32, #tpu.memory_space<hbm>>
      %dma_start3A_317 = arith.constant 0 : i32
      %dma_start3A_318 = tpu.memref_slice %arg7[%mul3A_81, %dma_start3A_317] : memref<128x256xf32, #tpu.memory_space<vmem>> -> memref<64x256xf32, #tpu.memory_space<vmem>>
      tpu.enqueue_dma source(%dma_start3A_318 : memref<64x256xf32, #tpu.memory_space<vmem>>) target(%dma_start3A_316 : memref<64x256xf32, #tpu.memory_space<hbm>>) target_semaphore(%arg9 : memref<!tpu.dma_semaphore, #tpu.memory_space<semaphore_mem>>)
    }
    %scan3A_17 = arith.constant 100 : i32
    %dma_wait3A_18 = arith.constant 0 : i32
    %dma_wait3A_19 = arith.constant 0 : i32
    %dma_wait3A_20 = arith.constant 0 : i32
    %dma_wait3A_21 = tpu.memref_slice %arg7[%dma_wait3A_19, %dma_wait3A_20] : memref<128x256xf32, #tpu.memory_space<vmem>> -> memref<64x256xf32, #tpu.memory_space<vmem>>
    %dma_wait3A_22 = arith.constant 0 : i32
    %dma_wait3A_23 = tpu.memref_slice %arg4[%dma_wait3A_18, %dma_wait3A_22, %mul3A_2] : memref<50x64x16384xf32, #tpu.memory_space<hbm>> -> memref<1x64x256xf32, #tpu.memory_space<hbm>>
    %dma_wait3A_24 = tpu.memref_squeeze %dma_wait3A_23 : memref<1x64x256xf32, #tpu.memory_space<hbm>> -> memref<64x256xf32, #tpu.memory_space<hbm>>
    %dma_wait3A_25 = arith.constant 0 : i32
    %dma_wait3A_26 = tpu.memref_slice %arg4[%dma_wait3A_18, %dma_wait3A_25, %mul3A_2] : memref<50x64x16384xf32, #tpu.memory_space<hbm>> -> memref<1x64x256xf32, #tpu.memory_space<hbm>>
    %dma_wait3A_27 = tpu.memref_squeeze %dma_wait3A_26 : memref<1x64x256xf32, #tpu.memory_space<hbm>> -> memref<64x256xf32, #tpu.memory_space<hbm>>
    %dma_wait3A_28 = arith.constant 0 : i32
    %dma_wait3A_29 = arith.constant 0 : i32
    %dma_wait3A_30 = tpu.memref_slice %arg7[%dma_wait3A_28, %dma_wait3A_29] : memref<128x256xf32, #tpu.memory_space<vmem>> -> memref<64x256xf32, #tpu.memory_space<vmem>>
    tpu.wait_dma2 semaphore(%arg9 : memref<!tpu.dma_semaphore, #tpu.memory_space<semaphore_mem>>) src(%dma_wait3A_30 : memref<64x256xf32, #tpu.memory_space<vmem>>) dst(%dma_wait3A_27 : memref<64x256xf32, #tpu.memory_space<hbm>>)
    %dma_wait3A_31 = arith.constant 0 : i32
    %dma_wait3A_32 = arith.constant 0 : i32
    %dma_wait3A_33 = arith.constant 0 : i32
    %dma_wait3A_34 = tpu.memref_slice %arg7[%dma_wait3A_32, %dma_wait3A_33] : memref<128x256xf32, #tpu.memory_space<vmem>> -> memref<64x256xf32, #tpu.memory_space<vmem>>
    %dma_wait3A_35 = arith.constant 0 : i32
    %dma_wait3A_36 = tpu.memref_slice %arg4[%dma_wait3A_31, %dma_wait3A_35, %mul3A_2] : memref<50x64x16384xf32, #tpu.memory_space<hbm>> -> memref<1x64x256xf32, #tpu.memory_space<hbm>>
    %dma_wait3A_37 = tpu.memref_squeeze %dma_wait3A_36 : memref<1x64x256xf32, #tpu.memory_space<hbm>> -> memref<64x256xf32, #tpu.memory_space<hbm>>
    %dma_wait3A_38 = arith.constant 0 : i32
    %dma_wait3A_39 = tpu.memref_slice %arg4[%dma_wait3A_31, %dma_wait3A_38, %mul3A_2] : memref<50x64x16384xf32, #tpu.memory_space<hbm>> -> memref<1x64x256xf32, #tpu.memory_space<hbm>>
    %dma_wait3A_40 = tpu.memref_squeeze %dma_wait3A_39 : memref<1x64x256xf32, #tpu.memory_space<hbm>> -> memref<64x256xf32, #tpu.memory_space<hbm>>
    %dma_wait3A_41 = arith.constant 0 : i32
    %dma_wait3A_42 = arith.constant 0 : i32
    %dma_wait3A_43 = tpu.memref_slice %arg7[%dma_wait3A_41, %dma_wait3A_42] : memref<128x256xf32, #tpu.memory_space<vmem>> -> memref<64x256xf32, #tpu.memory_space<vmem>>
    tpu.wait_dma2 semaphore(%arg9 : memref<!tpu.dma_semaphore, #tpu.memory_space<semaphore_mem>>) src(%dma_wait3A_43 : memref<64x256xf32, #tpu.memory_space<vmem>>) dst(%dma_wait3A_40 : memref<64x256xf32, #tpu.memory_space<hbm>>)
    return
  }
}

</mosaic_0001>

<sc_bundles>
// kernel: kernel.3.cloned.1.call-start
scs
__scs_entry_jumppad:
0x0: {  	(pc) =	sbr.rel $0x88, $3  }
0x1: {  	(tag) =	ssettag $0x0;
	lr =	simm.s32 $0x1  }
0x2: {  	[smem:$0x3F9F] =	sst lr;
	_ =	strace $0xD0000000  }
0x3: {  	_ = 	snop  }
0x4: {  	_ = 	snop  }
0x5: {  	_ = 	snop  }
0x6: {  	_ = 	snop  }
0x7: {  	_ = 	snop  }
__scs_overlays_trampoline_lowered:
0x8: {  	[smem:$0x3FAE] =	sst s0  }
0x9: {  	[smem:$0x3FAF] =	sst s1  }
0xa: {  	[smem:$0x3FB0] =	sst s2  }
0xb: {  	[smem:$0x3FB1] =	sst s3  }
0xc: {  	[smem:$0x3FB2] =	sst s4  }
0xd: {  	[smem:$0x3FB3] =	sst s5  }
0xe: {  	[smem:$0x3FB4] =	sst s6  }
0xf: {  	[smem:$0x3FB5] =	sst s7  }
0x10: {  	[smem:$0x3FB6] =	sst s8  }
0x11: {  	[smem:$0x3FB7] =	sst s9;
	s0 =	simm.s32 @!p0 $0x0  }
0x12: {  	s1 =	sld [smem:$0x3F9D];
	s0 =	simm.s32 @p0 $0x1  }
0x13: {  	[smem:$0x3FB8] =	sst s0;
	s0 =	simm.s32 @!p1 $0x0  }
0x14: {  	s2 =	sld [smem:$0x3F9C];
	s0 =	simm.s32 @p1 $0x1  }
0x15: {  	[smem:$0x3FB9] =	sst s0;
	s0 =	simm.s32 @!p2 $0x0  }
0x16: {  	s3 =	sld [smem:$0x3FDB];
	s0 =	simm.s32 @p2 $0x1  }
0x17: {  	s4 =	simm.s32 $0x1BF5;
	[smem:$0x3FBB] =	sst s0  }
0x18: {  	s0 =	sld [smem:$0x3F9E];
	_ =	swait.ge [sflag:s4], $0x0  }
0x19: {  	s7 =	sld [smem:$0x3F9F]  }
0x1a: {  	s8 =	sadd.s32 $0xFFFFE003, lr  }
0x1b: {  	s9 =	sadd.s32 $0xFFFFFEF7, lr;
	s5 =	simm.s32 $0xFFFFFFFF;
	p2 =	slt.u32 s8, $0xFFFFF086  }
0x1c: {  	p1 =	slt.u32 s9, $0xF7A;
	s5 =	simm.s32 @!p2 $0x0  }
0x1d: {  	s5 =	simm.s32 @p1 $0x1;
	p0 =	seq.s32 s7, s2  }
0x1e: {  	s7 =	smul.u32 @!p0 $0xF7A, s2;
	p2 =	seq.s32 @!p0 s5, $0x0  }
0x1f: {  	s9 =	smul.u32 $0xF7A, s1;
	s8 =	simm.s32 @!p0 $0x1BF5;
	p2 =	por !p2, p0  }
0x20: {  	[sflag:s8] =	ssyncset.s32 @!p0 $0xFFFFF086;
	s6 =	sadd.s32 @!p0 s3, s7;
	s7 =	simm.s32 @!p0 $0x108  }
0x21: {  	s3 =	sadd.s32 s3, s9;
	s6 =	sadd.s32 @!p0 $0x88, s6;
	s7 =	simm.s32 @p2 $0x1082  }
0x22: {  	[simem:s7], [sflag:s8] =	dma.local @!p0 [hbm:s6], $0xF7A  }
0x23: {  	s9 =	sor.u32 $0xD0000000, s2;
	s6 =	simm.s32 $0x108;
	_ =	swait.ge @!p0 [sflag:s8], $0x0  }
0x24: {  	s3 =	sadd.s32 $0x88, s3;
	s6 =	simm.s32 @!p1 $0x1082;
	[sflag:s4] =	ssyncset.s32 $0xFFFFF086  }
0x25: {  	[simem:s6], [sflag:s4] =	dma.local [hbm:s3], $0xF7A  }
0x26: {  	[smem:$0x3F9F] =	sst s1;
	(tag) =	ssettag s2;
	_ =	strace s9  }
0x27: {  	s1 =	sld [smem:$0x3FAF]  }
0x28: {  	s2 =	sld [smem:$0x3FB0]  }
0x29: {  	s4 =	sld [smem:$0x3FB2]  }
0x2a: {  	p0 =	seq.s32 s5, $0x0;
	s5 =	sld [smem:$0x3FB3]  }
0x2b: {  	s6 =	sld [smem:$0x3FB4]  }
0x2c: {  	s7 =	sld [smem:$0x3FB5]  }
0x2d: {  	s3 =	simm.s32 $0x108;
	s8 =	sld [smem:$0x3FB6]  }
0x2e: {  	s3 =	simm.s32 @!p0 $0x1082;
	s9 =	sld [smem:$0x3FB7]  }
0x2f: {  	lr =	sadd.s32 s0, s3;
	s0 =	sld [smem:$0x3FAE]  }
0x30: {  	s3 =	sld [smem:$0x3FB1]  }
0x31: {  	[smem:$0x3FBA] =	sst s10  }
0x32: {  	s10 =	sld [smem:$0x3FB8];
	_ =	sdelay $0x3  }
0x33: {  	p0 =	seq.s32 s10, $0x1;
	s10 =	sld [smem:$0x3FBA];
	_ =	sdelay $0x3  }
0x34: {  	[smem:$0x3FBA] =	sst s10  }
0x35: {  	s10 =	sld [smem:$0x3FB9];
	_ =	sdelay $0x3  }
0x36: {  	p1 =	seq.s32 s10, $0x1;
	s10 =	sld [smem:$0x3FBA];
	_ =	sdelay $0x3  }
0x37: {  	[smem:$0x3FBA] =	sst s10  }
0x38: {  	s10 =	sld [smem:$0x3FBB]  }
0x39: {  	_ = 	snop;
	(pc) =	sbr.ind lr, $3  }
0x3a: {  	_ = 	snop  }
0x3b: {  	_ = 	snop  }
0x3c: {  	p2 =	seq.s32 s10, $0x1;
	s10 =	sld [smem:$0x3FBA]  }
0x3d: {  	_ =	shalt  }
0x3e: {  	_ =	shalt  }
0x3f: {  	_ =	shalt  }
0x40: {  	_ =	shalt  }
0x41: {  	_ =	shalt  }
0x42: {  	_ =	shalt  }
0x43: {  	_ =	shalt  }
0x44: {  	_ =	shalt  }
0x45: {  	_ =	shalt  }
0x46: {  	_ =	shalt  }
0x47: {  	_ =	shalt  }
0x48: {  	_ =	shalt  }
0x49: {  	_ =	shalt  }
0x4a: {  	_ =	shalt  }
0x4b: {  	_ =	shalt  }
0x4c: {  	_ =	shalt  }
0x4d: {  	_ =	shalt  }
0x4e: {  	_ =	shalt  }
0x4f: {  	_ =	shalt  }
0x50: {  	_ =	shalt  }
0x51: {  	_ =	shalt  }
0x52: {  	_ =	shalt  }
0x53: {  	_ =	shalt  }
0x54: {  	_ =	shalt  }
0x55: {  	_ =	shalt  }
0x56: {  	_ =	shalt  }
0x57: {  	_ =	shalt  }
0x58: {  	_ =	shalt  }
0x59: {  	_ =	shalt  }
0x5a: {  	_ =	shalt  }
0x5b: {  	_ =	shalt  }
0x5c: {  	_ =	shalt  }
0x5d: {  	_ =	shalt  }
0x5e: {  	_ =	shalt  }
0x5f: {  	_ =	shalt  }
0x60: {  	_ =	shalt  }
0x61: {  	_ =	shalt  }
0x62: {  	_ =	shalt  }
0x63: {  	_ =	shalt  }
0x64: {  	_ =	shalt  }
0x65: {  	_ =	shalt  }
0x66: {  	_ =	shalt  }
0x67: {  	_ =	shalt  }
0x68: {  	_ =	shalt  }
0x69: {  	_ =	shalt  }
0x6a: {  	_ =	shalt  }
0x6b: {  	_ =	shalt  }
0x6c: {  	_ =	shalt  }
0x6d: {  	_ =	shalt  }
0x6e: {  	_ =	shalt  }
0x6f: {  	_ =	shalt  }
0x70: {  	_ =	shalt  }
0x71: {  	_ =	shalt  }
0x72: {  	_ =	shalt  }
0x73: {  	_ =	shalt  }
0x74: {  	_ =	shalt  }
0x75: {  	_ =	shalt  }
0x76: {  	_ =	shalt  }
0x77: {  	_ =	shalt  }
0x78: {  	_ =	shalt  }
0x79: {  	_ =	shalt  }
0x7a: {  	_ =	shalt  }
0x7b: {  	_ =	shalt  }
0x7c: {  	_ =	shalt  }
0x7d: {  	_ =	shalt  }
0x7e: {  	_ =	shalt  }
0x7f: {  	_ =	shalt  }
0x80: {  	_ =	shalt  }
0x81: {  	_ =	shalt  }
0x82: {  	_ =	shalt  }
0x83: {  	_ =	shalt  }
0x84: {  	_ =	shalt  }
0x85: {  	_ =	shalt  }
0x86: {  	_ =	shalt  }
0x87: {  	_ =	shalt  }
.Lfunc_end0:
.L_simem_size_0:
called_computation_lowered:
.L_overlay_start_0:
0x88: {  	s2 =	sld [smem:$0x3FD9]  }
0x89: {  	s3 =	sld [smem:$0x3FFE];
	_ =	sdelay $0x1  }
0x8a: {  	s1 =	srdreg.scid  }
0x8b: {  	s0 =	sand.u32 $0x1, s1  }
0x8c: {  	s17 =	sshll.u32 s0, $0xA;
	s2 =	sadd.s32 s3, s2  }
0x8d: {  	s2 =	sadd.s32 s2, s17  }
0x8e: {  	[smem:$0x3FC6] =	sst s2  }
0x8f: {  	_ = 	snop  }
0x90: {  	s2 =	sld [smem:$0x3FC9]  }
0x91: {  	s18 =	sld [smem:$0x3FD0];
	(tm) =	ssettm $0x1  }
0x92: {  	s4 =	sld [smem:$0x3FFB];
	_ =	sdelay $0x3  }
0x93: {  	_ =	strace s4  }
0x94: {  	s4 =	sld [smem:$0x3FFC];
	_ =	sdelay $0x3  }
0x95: {  	_ =	strace s4  }
0x96: {  	s4 =	sld [smem:$0x3FFD];
	_ =	sdelay $0x3  }
0x97: {  	_ =	strace s4  }
0x98: {  	_ =	strace $0x8FFFFFFF  }
0x99: {  	s19 =	sld [smem:$0x3FDB];
	_ =	sdelay $0x1  }
0x9a: {  	s5 =	simm.s32 $_scs_section_size  }
0x9b: {  	s6 =	simm.s32 $_size__tile_overlayer_lowered;
	s7 =	simm.s32 $_tile_overlayer_lowered  }
0x9c: {  	s22 =	simm.s32 $0x1BFF;
	s21 =	sshll.u32 s7, $0x1;
	s4 =	sadd.s32 s5, s19  }
0x9d: {  	s8 =	simm.s32 $0x0;
	s20 =	sshll.u32 s6, $0x1;
	s6 =	sadd.s32 s21, s4  }
0x9e: {  	[timem:s8], [sflag:s22] =	dma.local [hbm:s6], s20  }
0x9f: {  	_ =	swait.ge [sflag:s22], s20  }
0xa0: {  	s5 =	ssub.s32 $0x0, s20;
	[sflag:s22] =	ssyncset.done $0x0  }
0xa1: {  	[sflag:s22] =	ssyncadd.s32 s5;
	_ =	sdelay $0x1  }
0xa2: {  	s23 =	simm.s32 $0x1B8B  }
0xa3: {  	_ =	swait.ge [sflag:s23], $0x1  }
0xa4: {  	[sflag:s23] =	ssyncset.done $0x0  }
0xa5: {  	s25 =	simm.s32 $0x1B8E;
	s24 =	sld [smem:$0x3FFE];
	[sflag:s23] =	ssyncadd.s32 $0xFFFFFFFF  }
0xa6: {  	s26 =	simm.s32 $execute0_lowered;
	[smem:$0x3FD2] =	sst s25  }
0xa7: {  	s6 =	sshll.u32 s26, $0x1;
	_ =	strace $0x80000046;
	[dreg:$0x1] =	wrdreg $0xFFFFFFFF  }
0xa8: {  	s28 =	simm.s32 $_size_execute0_lowered;
	s4 =	sadd.s32 s4, s6;
	[dreg:$0x0] =	wrdreg $0x0  }
0xa9: {  	s6 =	sshll.u32 s28, $0x1;
	[dreg:$0x2] =	wrdreg s4  }
0xaa: {  	[dreg:$0x3] =	wrdreg s6  }
0xab: {  	[dreg:$0x4] =	wrdreg $0xC0  }
0xac: {  	_ =	task [dreg:s8], $0x5FFFF  }
0xad: {  	[dreg:$0x1] =	wrdreg $0xFFFFFFFF  }
0xae: {  	[dreg:$0x0] =	wrdreg $0x60  }
0xaf: {  	[dreg:$0x2] =	wrdreg s2  }
0xb0: {  	[dreg:$0x3] =	wrdreg s24  }
0xb1: {  	[dreg:$0x4] =	wrdreg s18  }
0xb2: {  	[dreg:$0x5] =	wrdreg $0x9  }
0xb3: {  	_ =	task.clear_ibuf [dreg:s8], $0x6FFFF;
	_ =	strace $0x90000046  }
0xb4: {  	s29 =	simm.s32 $0x9;
	_ =	strace $0x80000048  }
0xb5: {  	_ =	swait.ge [sflag:s29], $0x1  }
0xb6: {  	[sflag:s29] =	ssyncadd.s32 $0xFFFFFFFF  }
0xb7: {  	_ =	strace $0x90000048  }
0xb8: {  	_ =	sfence  }
0xb9: {  	s30 =	sld [smem:$0x0];
	_ =	sdelay $0x2  }
0xba: {  	s31 =	sshll.u32 s1, $0xD;
	s1 =	sshrl.u32 s1, $0x2  }
0xbb: {  	s3 =	sand.u32 $0x4000, s31;
	s1 =	sadd.s32 s1, s30  }
0xbc: {  	s0 =	sor.u32 s3, s0;
	s1 =	sshll.u32 s1, $0x11  }
0xbd: {  	s0 =	sor.u32 s1, s0  }
0xbe: {  	s0 =	sadd.s32 $0x8F2B, s0  }
0xbf: {  	[sflag:s0] =	ssyncadd.remote.s32 $0x1  }
0xc0: {  	_ =	sfence.sel $0xFFFF  }
0xc1: {  	[dreg:$0x0] =	wrdreg $0xFFFFFFFF;
	(pc) =	sbr.abs _section_cstart, $3  }
0xc2: {  	[dreg:$0x1] =	wrdreg $0xFFFFFFFF  }
0xc3: {  	_ =	task.clear_ibuf [dreg:s8], $0x2FFFF;
	_ =	strace $0x9FFFFFFF  }
0xc4: {  	(tm) =	ssettm $0x7FFFFFFF  }
0xc5: {  	_ =	shalt  }
tec
execute0_lowered:
.L_overlay_start_1:
0x0: {  	(tag) =	ssettag $0x1  }
0x1: {  	s0 =	rddreg [dreg:$0x0]  }
0x2: {  	s1 =	rddreg [dreg:$0x1]  }
0x3: {  	s3 =	rddreg [dreg:$0x2];
	s2 =	simm.s32 $0x0;
	s4 =	srdreg.scid  }
0x4: {  	s6 =	stileid.u32;
	[smem:$0x7FF] =	sst s2;
	s4 =	sand.u32 $0x1, s4  }
0x5: {  	s6 =	sshll.u32 s6, $0xA;
	s5 =	ssub.s32 $0x2, s4;
	s4 =	sshll.u32 s4, $0x9  }
0x6: {  	s1 =	sadd.s32 $0x400, s1;
	_ =	strace $0x80000047;
	s4 =	sor.u32 s4, s6  }
0x7: {  	[dreg:$0x4] =	wrdreg s1;
	s7 =	sshrl.u32 s5, $0x1;
	s0 =	sadd.s32 s0, s4  }
0x8: {  	v0 =	vlaneseq.u32;
	s29 =	ssub.s32 s5, s7;
	s30 =	sadd.s32 s3, s4;
	[dreg:$0x5] =	wrdreg s0  }
0x9: {  	v0 =	vand.u32 $0x7, v0;
	[dreg:$0x6] =	wrdreg s30;
	s31 =	smax.u32 s29, $0x1  }
0xa: {  	v0 =	vmul.u32 $0x1965, v0;
	s3 =	simm.s32 $0x0;
	[dreg:$0x7] =	wrdreg s31  }
.LBB2_1:
0xb: {  	[dreg:$0x8] =	wrdreg s3  }
0xc: {  	s0 =	rddreg [dreg:$0x4];
	s1 =	simm.s32 $0x1  }
0xd: {  	[tilespmem:s2], [sflag:$0x1] =	stream.linear.gather [hbm4b:s0+s2], $0xCB80, $0x38;
	[tilespmem:$0x1BB80] =	vst v63  }
0xe: {  	_ =	swait.ge [sflag:s1], $0xCB80  }
0xf: {  	s31 =	simm.s32 $0x1000;
	s4 =	simm.s32 $0x20000;
	[sflag:s1] =	ssyncset.done $0x0  }
0x10: {  	s5 =	simm.s32 $0xCB80;
	s30 =	rddreg [dreg:$0x5];
	[sflag:s1] =	ssyncadd.s32 $0xFFFF3480  }
0x11: {  	[tilespmem:s5], [sflag:$0x1] =	stream.strided.gather [hbm4b:s30+s31], $0x7000, s4, s31, $0x38;
	[tilespmem:$0x1BB80] =	vst v63  }
0x12: {  	_ =	swait.ge [sflag:s1], $0x7000  }
0x13: {  	[sflag:s1] =	ssyncset.done $0x0  }
0x14: {  	p0 =	por $0x0, $0x0;
	s14 =	simm.s32 $0x0;
	[sflag:s1] =	ssyncadd.s32 $0xFFFF9000  }
.LBB2_2:
0x15: {  	s16 =	sshrl.u32 s14, $0x1  }
0x16: {  	s15 =	sand.u32 $0x1, s14;
	p1 =	slt.u32 s14, $0x2;
	s0 =	sshll.u32 s16, $0x9  }
0x17: {  	s1 =	simm.s32 @!p1 $0x2;
	s3 =	sshll.u32 s15, $0xB;
	s0 =	sand.u32 $0x7000, s0  }
0x18: {  	s4 =	sshll.u32 s16, $0x7;
	_ =	swait.ge @!p1 [sflag:s1], $0x4000;
	s0 =	sor.u32 s3, s0  }
0x19: {  	s24 =	sand.u32 $0x380, s4;
	[sflag:s1] =	ssyncset.done @!p1 $0x0;
	s0 =	sadd.s32 $0xCB80, s0  }
0x1a: {  	[sflag:s1] =	ssyncadd.s32 @!p1 $0xFFFFC000;
	s20 =	sadd.s32 s24, s0  }
0x1b: {  	v1 =	vld [tilespmem:s20+$0x0];
	_ =	sdelay $0x4  }
0x1c: {  	v1 =	vmul.u32 $0x41, v1  }
0x1d: {  	s0 =	simm.s32 $0x1  }
0x1e: {  	s25 =	simm.s32 $0x7;
	s0 =	simm.s32 @!p0 $0x0;
	v1 =	vadd.s32 v0, v1  }
0x1f: {  	s26 =	simm.s32 $0x1;
	s5 =	sshll.u32 s0, $0xE;
	v2 =	vadd.s32 s25, v1  }
0x20: {  	s3 =	simm.s32 $0x2;
	s6 =	sadd.s32 $0x14270, s5;
	v3 =	vadd.s32 s26, v1  }
0x21: {  	s4 =	simm.s32 $0x3;
	s8 =	sadd.s32 $0x14260, s5;
	[dreg:$0x9] =	wrdreg s6;
	v4 =	vadd.s32 s3, v1  }
0x22: {  	s7 =	simm.s32 $0x4;
	s10 =	sadd.s32 $0x14250, s5;
	[dreg:$0xa] =	wrdreg s8;
	v5 =	vadd.s32 s4, v1  }
0x23: {  	s9 =	simm.s32 $0x5;
	[dreg:$0xb] =	wrdreg s10;
	v6 =	vadd.s32 s7, v1  }
0x24: {  	s11 =	simm.s32 $0x6;
	s12 =	simm.s32 $0x0;
	v7 =	vadd.s32 s9, v1;
	v2 =	vld.idx.msk [tilespmem:v2+s2+$0x0], $0xffff  }
0x25: {  	s13 =	simm.s32 $0xF;
	s19 =	simm.s32 $0x9;
	s22 =	simm.s32 $0xA;
	v9 =	vadd.s32 s11, v1;
	v8 =	vld.idx.msk [tilespmem:v3+s2+$0x0], $0xffff  }
0x26: {  	s24 =	simm.s32 $0xC;
	s18 =	sor.u32 $0x700, s5;
	s17 =	sadd.s32 $0x141F0, s5;
	v10 =	vadd.s32 s12, v1;
	v11 =	vld.idx.msk [tilespmem:v4+s2+$0x0], $0xffff  }
0x27: {  	s21 =	sadd.s32 $0x141E0, s5;
	s23 =	sadd.s32 $0x141D0, s5;
	s29 =	sadd.s32 $0x14230, s5;
	v12 =	vadd.s32 s13, v1;
	v13 =	vld.idx.msk [tilespmem:v5+s2+$0x0], $0xffff  }
0x28: {  	s28 =	sadd.s32 $0x141B0, s5;
	s31 =	sadd.s32 $0x14220, s5;
	s30 =	sadd.s32 $0x141A0, s5;
	v15 =	vld.idx.msk [tilespmem:v6+s2+$0x0], $0xffff  }
0x29: {  	s1 =	sadd.s32 $0x14210, s5;
	s0 =	sadd.s32 $0x14190, s5;
	s10 =	sadd.s32 $0x14200, s5;
	v14 =	vadd.s32 s19, v1;
	v3 =	vld.idx.msk [tilespmem:v7+s2+$0x0], $0xffff  }
0x2a: {  	s8 =	sadd.s32 $0x14180, s5;
	s9 =	sor.u32 $0x13D80, s5;
	v16 =	vadd.s32 s22, v1;
	s11 =	simm.s32 $0xB;
	v5 =	vld.idx.msk [tilespmem:v9+s2+$0x0], $0xffff  }
0x2b: {  	s6 =	sor.u32 $0x13DD0, s5;
	s26 =	sadd.s32 $0x14240, s5;
	s25 =	sadd.s32 $0x141C0, s5;
	v4 =	vld.idx.msk [tilespmem:v10+s2+$0x0], $0xffff;
	v10 =	vadd.s32 s11, v1;
	[tilespmem:s9+$0x180] =	vst v2  }
0x2c: {  	s3 =	sor.u32 $0x13DF0, s5;
	s4 =	sor.u32 $0x13DE0, s5;
	s19 =	simm.s32 $0xD;
	[tilespmem:s9+$0xFFFFFE80] =	vst v8;
	v2 =	vld.idx.msk [tilespmem:v12+s2+$0x0], $0xffff;
	v12 =	vadd.s32 s24, v1  }
0x2d: {  	s7 =	sor.u32 $0x13DC0, s5;
	s12 =	sor.u32 $0x13DB0, s5;
	v9 =	vadd.s32 s19, v1;
	[tilespmem:s9+$0xFFFFFF00] =	vst v11;
	s24 =	simm.s32 $0xE  }
0x2e: {  	s13 =	sor.u32 $0x13DA0, s5;
	s22 =	simm.s32 $0x8;
	s11 =	sor.u32 $0x13D90, s5;
	v6 =	vld.idx.msk [tilespmem:v14+s2+$0x0], $0xffff;
	[tilespmem:s9+$0xFFFFFF80] =	vst v13;
	v11 =	vadd.s32 s24, v1  }
0x2f: {  	v7 =	vld.idx.msk [tilespmem:v16+s2+$0x0], $0xffff;
	s5 =	simm.s32 $0x10;
	s19 =	simm.s32 $0x18;
	v8 =	vadd.s32 s22, v1;
	[tilespmem:s9+$0x0] =	vst v15;
	s22 =	simm.s32 $0x17  }
.LBB2_3:
0x30: {  	p1 =	slt.u32 s19, $0x38;
	s24 =	sadd.s32 $0x1, s5;
	v13 =	vadd.s32 s22, v1;
	v14 =	vld.idx.msk [tilespmem:v10+s2+$0x0], $0xffff;
	[tilespmem:s9+$0x80] =	vst v3  }
0x31: {  	s22 =	sadd.s32 $0x2, s5;
	v15 =	vadd.s32 s24, v1;
	v16 =	vld.idx.msk [tilespmem:v12+s2+$0x0], $0xffff;
	[tilespmem:s9+$0x100] =	vst v5  }
0x32: {  	v17 =	vadd.s32 s22, v1;
	s22 =	sadd.s32 $0x3, s5;
	v3 =	vld.idx.msk [tilespmem:v9+s2+$0x0], $0xffff;
	[tilespmem:s9+$0xFFFFFE00] =	vst v4;
	s9 =	sadd.s32 $0x800, s9  }
.Ltmp0:
0x33: {  	v10 =	vadd.s32 s22, v1;
	s22 =	sadd.s32 $0x4, s5;
	v5 =	vld.idx.msk [tilespmem:v11+s2+$0x0], $0xffff;
	[tilespmem:s9+$0x180] =	vst v2;
	(pc) =	sbr.rel @p1 .LBB2_3-.Ltmp0, $4  }
0x34: {  	v12 =	vadd.s32 s22, v1;
	s22 =	sadd.s32 $0x5, s5;
	v4 =	vld.idx.msk [tilespmem:v8+s2+$0x0], $0xffff;
	[tilespmem:s9+$0xFFFFFE80] =	vst v6  }
0x35: {  	v9 =	vadd.s32 s22, v1;
	s22 =	sadd.s32 $0x6, s5;
	v2 =	vld.idx.msk [tilespmem:v13+s2+$0x0], $0xffff;
	[tilespmem:s9+$0xFFFFFF00] =	vst v7  }
0x36: {  	v11 =	vadd.s32 s22, v1;
	v6 =	vld.idx.msk [tilespmem:v15+s2+$0x0], $0xffff;
	[tilespmem:s9+$0xFFFFFF80] =	vst v14  }
0x37: {  	v8 =	vadd.s32 s5, v1;
	s5 =	smov.u32 s19;
	s22 =	sadd.s32 $0x7, s19;
	s19 =	sadd.s32 $0x8, s19;
	v7 =	vld.idx.msk [tilespmem:v17+s2+$0x0], $0xffff;
	[tilespmem:s9+$0x0] =	vst v16  }
0x38: {  	_ =	sdelay $0x2  }
0x39: {  	[tilespmem:s9+$0x80] =	vst v3  }
0x3a: {  	s19 =	sadd.s32 $0x1, s5;
	v3 =	vadd.s32 s22, v1;
	v10 =	vld.idx.msk [tilespmem:v10+s2+$0x0], $0xffff;
	[tilespmem:s9+$0x100] =	vst v5  }
0x3b: {  	s24 =	sadd.s32 $0x2, s5;
	v12 =	vld.idx.msk [tilespmem:v12+s2+$0x0], $0xffff;
	v5 =	vadd.s32 s19, v1;
	[tilespmem:s9+$0xFFFFFE00] =	vst v4;
	s9 =	sadd.s32 $0x800, s9  }
0x3c: {  	s22 =	sadd.s32 $0x3, s5;
	v9 =	vld.idx.msk [tilespmem:v9+s2+$0x0], $0xffff;
	v4 =	vadd.s32 s24, v1;
	[tilespmem:s9+$0x180] =	vst v2  }
0x3d: {  	v11 =	vld.idx.msk [tilespmem:v11+s2+$0x0], $0xffff;
	s24 =	sadd.s32 $0x4, s5;
	v2 =	vadd.s32 s22, v1;
	[tilespmem:s9+$0xFFFFFE80] =	vst v6  }
0x3e: {  	v8 =	vld.idx.msk [tilespmem:v8+s2+$0x0], $0xffff;
	s22 =	sadd.s32 $0x5, s5;
	v6 =	vadd.s32 s24, v1;
	[tilespmem:s9+$0xFFFFFF00] =	vst v7  }
0x3f: {  	s24 =	sadd.s32 $0x6, s5;
	v7 =	vadd.s32 s22, v1;
	v3 =	vld.idx.msk [tilespmem:v3+s2+$0x0], $0xffff;
	[tilespmem:s9+$0xFFFFFF80] =	vst v10  }
0x40: {  	v10 =	vadd.s32 s24, v1;
	[tilespmem:s9+$0x0] =	vst v12;
	v5 =	vld.idx.msk [tilespmem:v5+s2+$0x0], $0xffff  }
0x41: {  	v1 =	vadd.s32 s5, v1;
	[tilespmem:s9+$0x80] =	vst v9;
	v4 =	vld.idx.msk [tilespmem:v4+s2+$0x0], $0xffff  }
0x42: {  	[tilespmem:s9+$0x100] =	vst v11;
	v2 =	vld.idx.msk [tilespmem:v2+s2+$0x0], $0xffff  }
0x43: {  	s19 =	sadd.s32 $0x800, s9;
	[tilespmem:s9+$0xFFFFFE00] =	vst v8;
	v6 =	vld.idx.msk [tilespmem:v6+s2+$0x0], $0xffff  }
0x44: {  	v7 =	vld.idx.msk [tilespmem:v7+s2+$0x0], $0xffff;
	[tilespmem:s19+$0x180] =	vst v3  }
0x45: {  	v3 =	vld.idx.msk [tilespmem:v10+s2+$0x0], $0xffff;
	[tilespmem:s19+$0xFFFFFE80] =	vst v5  }
0x46: {  	v1 =	vld.idx.msk [tilespmem:v1+s2+$0x0], $0xffff;
	[tilespmem:s19+$0xFFFFFF00] =	vst v4  }
0x47: {  	[tilespmem:s19+$0xFFFFFF80] =	vst v2  }
0x48: {  	[tilespmem:s19+$0x0] =	vst v6  }
0x49: {  	[tilespmem:s19+$0x80] =	vst v7  }
0x4a: {  	[tilespmem:s19+$0x100] =	vst v3  }
0x4b: {  	[tilespmem:s19+$0xFFFFFE00] =	vst v1  }
0x4c: {  	v1 =	vld [tilespmem:s20+$0x10];
	_ =	sdelay $0x4  }
0x4d: {  	v1 =	vmul.u32 $0x41, v1;
	_ =	sdelay $0x1  }
0x4e: {  	s22 =	simm.s32 $0x7;
	v1 =	vadd.s32 v0, v1  }
0x4f: {  	s24 =	simm.s32 $0x1;
	v2 =	vadd.s32 s22, v1  }
0x50: {  	s19 =	simm.s32 $0x2;
	v3 =	vadd.s32 s24, v1  }
0x51: {  	v4 =	vadd.s32 s19, v1;
	s22 =	simm.s32 $0x3  }
0x52: {  	s24 =	simm.s32 $0x4;
	v5 =	vadd.s32 s22, v1  }
0x53: {  	s9 =	simm.s32 $0x5;
	v6 =	vadd.s32 s24, v1  }
0x54: {  	v7 =	vadd.s32 s9, v1;
	s19 =	simm.s32 $0x6;
	v2 =	vld.idx.msk [tilespmem:v2+s2+$0x0], $0xffff  }
0x55: {  	v8 =	vadd.s32 s19, v1;
	s24 =	simm.s32 $0xF;
	v3 =	vld.idx.msk [tilespmem:v3+s2+$0x0], $0xffff  }
0x56: {  	s22 =	simm.s32 $0x0;
	v12 =	vadd.s32 s24, v1;
	v10 =	vld.idx.msk [tilespmem:v4+s2+$0x0], $0xffff  }
0x57: {  	v9 =	vadd.s32 s22, v1;
	s22 =	simm.s32 $0xA;
	v13 =	vld.idx.msk [tilespmem:v5+s2+$0x0], $0xffff  }
0x58: {  	s19 =	simm.s32 $0x9;
	v16 =	vadd.s32 s22, v1;
	v15 =	vld.idx.msk [tilespmem:v6+s2+$0x0], $0xffff  }
0x59: {  	v14 =	vadd.s32 s19, v1;
	s24 =	simm.s32 $0xB;
	v6 =	vld.idx.msk [tilespmem:v7+s2+$0x0], $0xffff  }
0x5a: {  	s9 =	simm.s32 $0xC;
	v11 =	vadd.s32 s24, v1;
	v5 =	vld.idx.msk [tilespmem:v8+s2+$0x0], $0xffff;
	[tilespmem:s11+$0x180] =	vst v2  }
0x5b: {  	s19 =	simm.s32 $0xD;
	[tilespmem:s11+$0xFFFFFE80] =	vst v3;
	v2 =	vld.idx.msk [tilespmem:v12+s2+$0x0], $0xffff;
	v12 =	vadd.s32 s9, v1  }
0x5c: {  	s24 =	simm.s32 $0xE;
	v4 =	vld.idx.msk [tilespmem:v9+s2+$0x0], $0xffff;
	v9 =	vadd.s32 s19, v1;
	[tilespmem:s11+$0xFFFFFF00] =	vst v10  }
0x5d: {  	s22 =	simm.s32 $0x8;
	v7 =	vld.idx.msk [tilespmem:v16+s2+$0x0], $0xffff;
	v10 =	vadd.s32 s24, v1;
	[tilespmem:s11+$0xFFFFFF80] =	vst v13  }
0x5e: {  	s5 =	simm.s32 $0x18;
	v8 =	vadd.s32 s22, v1;
	s19 =	simm.s32 $0x17;
	v3 =	vld.idx.msk [tilespmem:v14+s2+$0x0], $0xffff;
	s9 =	simm.s32 $0x10;
	[tilespmem:s11+$0x0] =	vst v15  }
.LBB2_5:
0x5f: {  	p1 =	slt.u32 s5, $0x38;
	s22 =	sadd.s32 $0x1, s9;
	v13 =	vadd.s32 s19, v1;
	v14 =	vld.idx.msk [tilespmem:v11+s2+$0x0], $0xffff;
	[tilespmem:s11+$0x80] =	vst v6  }
0x60: {  	s19 =	sadd.s32 $0x2, s9;
	v15 =	vadd.s32 s22, v1;
	v16 =	vld.idx.msk [tilespmem:v12+s2+$0x0], $0xffff;
	[tilespmem:s11+$0x100] =	vst v5  }
0x61: {  	v17 =	vadd.s32 s19, v1;
	s19 =	sadd.s32 $0x3, s9;
	v6 =	vld.idx.msk [tilespmem:v9+s2+$0x0], $0xffff;
	[tilespmem:s11+$0xFFFFFE00] =	vst v4;
	s11 =	sadd.s32 $0x800, s11  }
.Ltmp1:
0x62: {  	v11 =	vadd.s32 s19, v1;
	s19 =	sadd.s32 $0x4, s9;
	v5 =	vld.idx.msk [tilespmem:v10+s2+$0x0], $0xffff;
	[tilespmem:s11+$0x180] =	vst v2;
	(pc) =	sbr.rel @p1 .LBB2_5-.Ltmp1, $4  }
0x63: {  	v12 =	vadd.s32 s19, v1;
	s19 =	sadd.s32 $0x5, s9;
	v4 =	vld.idx.msk [tilespmem:v8+s2+$0x0], $0xffff;
	[tilespmem:s11+$0xFFFFFE80] =	vst v3  }
0x64: {  	v9 =	vadd.s32 s19, v1;
	s19 =	sadd.s32 $0x6, s9;
	v2 =	vld.idx.msk [tilespmem:v13+s2+$0x0], $0xffff;
	[tilespmem:s11+$0xFFFFFF00] =	vst v7  }
0x65: {  	v10 =	vadd.s32 s19, v1;
	v3 =	vld.idx.msk [tilespmem:v15+s2+$0x0], $0xffff;
	[tilespmem:s11+$0xFFFFFF80] =	vst v14  }
0x66: {  	v8 =	vadd.s32 s9, v1;
	s9 =	smov.u32 s5;
	s19 =	sadd.s32 $0x7, s5;
	s5 =	sadd.s32 $0x8, s5;
	v7 =	vld.idx.msk [tilespmem:v17+s2+$0x0], $0xffff;
	[tilespmem:s11+$0x0] =	vst v16  }
0x67: {  	_ =	sdelay $0x2  }
0x68: {  	[tilespmem:s11+$0x80] =	vst v6  }
0x69: {  	s5 =	sadd.s32 $0x1, s9;
	v6 =	vadd.s32 s19, v1;
	v11 =	vld.idx.msk [tilespmem:v11+s2+$0x0], $0xffff;
	[tilespmem:s11+$0x100] =	vst v5  }
0x6a: {  	s22 =	sadd.s32 $0x2, s9;
	v12 =	vld.idx.msk [tilespmem:v12+s2+$0x0], $0xffff;
	v5 =	vadd.s32 s5, v1;
	[tilespmem:s11+$0xFFFFFE00] =	vst v4;
	s11 =	sadd.s32 $0x800, s11  }
0x6b: {  	s24 =	sadd.s32 $0x3, s9;
	v9 =	vld.idx.msk [tilespmem:v9+s2+$0x0], $0xffff;
	v4 =	vadd.s32 s22, v1;
	[tilespmem:s11+$0x180] =	vst v2  }
0x6c: {  	s19 =	sadd.s32 $0x4, s9;
	v10 =	vld.idx.msk [tilespmem:v10+s2+$0x0], $0xffff;
	v2 =	vadd.s32 s24, v1;
	[tilespmem:s11+$0xFFFFFE80] =	vst v3  }
0x6d: {  	v8 =	vld.idx.msk [tilespmem:v8+s2+$0x0], $0xffff;
	s22 =	sadd.s32 $0x5, s9;
	v3 =	vadd.s32 s19, v1;
	[tilespmem:s11+$0xFFFFFF00] =	vst v7  }
0x6e: {  	s24 =	sadd.s32 $0x6, s9;
	v7 =	vadd.s32 s22, v1;
	v6 =	vld.idx.msk [tilespmem:v6+s2+$0x0], $0xffff;
	[tilespmem:s11+$0xFFFFFF80] =	vst v11  }
0x6f: {  	v11 =	vadd.s32 s24, v1;
	[tilespmem:s11+$0x0] =	vst v12;
	v5 =	vld.idx.msk [tilespmem:v5+s2+$0x0], $0xffff  }
0x70: {  	v1 =	vadd.s32 s9, v1;
	[tilespmem:s11+$0x80] =	vst v9;
	v4 =	vld.idx.msk [tilespmem:v4+s2+$0x0], $0xffff  }
0x71: {  	[tilespmem:s11+$0x100] =	vst v10;
	v2 =	vld.idx.msk [tilespmem:v2+s2+$0x0], $0xffff  }
0x72: {  	s19 =	sadd.s32 $0x800, s11;
	[tilespmem:s11+$0xFFFFFE00] =	vst v8;
	v3 =	vld.idx.msk [tilespmem:v3+s2+$0x0], $0xffff  }
0x73: {  	v7 =	vld.idx.msk [tilespmem:v7+s2+$0x0], $0xffff;
	[tilespmem:s19+$0x180] =	vst v6  }
0x74: {  	v6 =	vld.idx.msk [tilespmem:v11+s2+$0x0], $0xffff;
	[tilespmem:s19+$0xFFFFFE80] =	vst v5  }
0x75: {  	v1 =	vld.idx.msk [tilespmem:v1+s2+$0x0], $0xffff;
	[tilespmem:s19+$0xFFFFFF00] =	vst v4  }
0x76: {  	[tilespmem:s19+$0xFFFFFF80] =	vst v2  }
0x77: {  	[tilespmem:s19+$0x0] =	vst v3  }
0x78: {  	[tilespmem:s19+$0x80] =	vst v7  }
0x79: {  	[tilespmem:s19+$0x100] =	vst v6  }
0x7a: {  	[tilespmem:s19+$0xFFFFFE00] =	vst v1  }
0x7b: {  	v1 =	vld [tilespmem:s20+$0x20];
	_ =	sdelay $0x4  }
0x7c: {  	v1 =	vmul.u32 $0x41, v1;
	_ =	sdelay $0x1  }
0x7d: {  	s22 =	simm.s32 $0x7;
	v1 =	vadd.s32 v0, v1  }
0x7e: {  	s24 =	simm.s32 $0x1;
	v2 =	vadd.s32 s22, v1  }
0x7f: {  	s11 =	simm.s32 $0x2;
	v3 =	vadd.s32 s24, v1  }
0x80: {  	s19 =	simm.s32 $0x3;
	v4 =	vadd.s32 s11, v1  }
0x81: {  	s9 =	simm.s32 $0x6;
	v5 =	vadd.s32 s19, v1  }
0x82: {  	s22 =	simm.s32 $0x4;
	v8 =	vadd.s32 s9, v1  }
0x83: {  	s24 =	simm.s32 $0x5;
	v6 =	vadd.s32 s22, v1;
	v2 =	vld.idx.msk [tilespmem:v2+s2+$0x0], $0xffff  }
0x84: {  	s19 =	simm.s32 $0xF;
	v7 =	vadd.s32 s24, v1;
	v3 =	vld.idx.msk [tilespmem:v3+s2+$0x0], $0xffff  }
0x85: {  	s11 =	simm.s32 $0x0;
	v12 =	vadd.s32 s19, v1;
	v10 =	vld.idx.msk [tilespmem:v4+s2+$0x0], $0xffff  }
0x86: {  	v9 =	vadd.s32 s11, v1;
	s24 =	simm.s32 $0xA;
	v13 =	vld.idx.msk [tilespmem:v5+s2+$0x0], $0xffff  }
0x87: {  	s22 =	simm.s32 $0x9;
	v16 =	vadd.s32 s24, v1;
	v5 =	vld.idx.msk [tilespmem:v8+s2+$0x0], $0xffff  }
0x88: {  	s9 =	simm.s32 $0xB;
	v14 =	vadd.s32 s22, v1;
	v15 =	vld.idx.msk [tilespmem:v6+s2+$0x0], $0xffff  }
0x89: {  	v11 =	vadd.s32 s9, v1;
	s11 =	simm.s32 $0xC;
	v6 =	vld.idx.msk [tilespmem:v7+s2+$0x0], $0xffff;
	[tilespmem:s13+$0x180] =	vst v2  }
0x8a: {  	s19 =	simm.s32 $0xD;
	[tilespmem:s13+$0xFFFFFE80] =	vst v3;
	v2 =	vld.idx.msk [tilespmem:v12+s2+$0x0], $0xffff;
	v12 =	vadd.s32 s11, v1  }
0x8b: {  	s24 =	simm.s32 $0xE;
	v4 =	vld.idx.msk [tilespmem:v9+s2+$0x0], $0xffff;
	v9 =	vadd.s32 s19, v1;
	[tilespmem:s13+$0xFFFFFF00] =	vst v10  }
0x8c: {  	s22 =	simm.s32 $0x8;
	v7 =	vld.idx.msk [tilespmem:v16+s2+$0x0], $0xffff;
	[tilespmem:s13+$0xFFFFFF80] =	vst v13;
	v10 =	vadd.s32 s24, v1  }
0x8d: {  	s5 =	simm.s32 $0x18;
	s9 =	simm.s32 $0x10;
	v8 =	vadd.s32 s22, v1;
	v3 =	vld.idx.msk [tilespmem:v14+s2+$0x0], $0xffff;
	s11 =	simm.s32 $0x17;
	[tilespmem:s13+$0x0] =	vst v15  }
.LBB2_7:
0x8e: {  	p1 =	slt.u32 s5, $0x38;
	s19 =	sadd.s32 $0x1, s9;
	v13 =	vadd.s32 s11, v1;
	v14 =	vld.idx.msk [tilespmem:v11+s2+$0x0], $0xffff;
	[tilespmem:s13+$0x80] =	vst v6  }
0x8f: {  	s11 =	sadd.s32 $0x2, s9;
	v15 =	vadd.s32 s19, v1;
	v16 =	vld.idx.msk [tilespmem:v12+s2+$0x0], $0xffff;
	[tilespmem:s13+$0x100] =	vst v5  }
0x90: {  	v17 =	vadd.s32 s11, v1;
	s11 =	sadd.s32 $0x3, s9;
	v6 =	vld.idx.msk [tilespmem:v9+s2+$0x0], $0xffff;
	[tilespmem:s13+$0xFFFFFE00] =	vst v4;
	s13 =	sadd.s32 $0x800, s13  }
.Ltmp2:
0x91: {  	v11 =	vadd.s32 s11, v1;
	s11 =	sadd.s32 $0x4, s9;
	v5 =	vld.idx.msk [tilespmem:v10+s2+$0x0], $0xffff;
	[tilespmem:s13+$0x180] =	vst v2;
	(pc) =	sbr.rel @p1 .LBB2_7-.Ltmp2, $4  }
0x92: {  	v12 =	vadd.s32 s11, v1;
	s11 =	sadd.s32 $0x5, s9;
	v4 =	vld.idx.msk [tilespmem:v8+s2+$0x0], $0xffff;
	[tilespmem:s13+$0xFFFFFE80] =	vst v3  }
0x93: {  	v9 =	vadd.s32 s11, v1;
	s11 =	sadd.s32 $0x6, s9;
	v2 =	vld.idx.msk [tilespmem:v13+s2+$0x0], $0xffff;
	[tilespmem:s13+$0xFFFFFF00] =	vst v7  }
0x94: {  	v10 =	vadd.s32 s11, v1;
	v3 =	vld.idx.msk [tilespmem:v15+s2+$0x0], $0xffff;
	[tilespmem:s13+$0xFFFFFF80] =	vst v14  }
0x95: {  	v8 =	vadd.s32 s9, v1;
	s9 =	smov.u32 s5;
	s11 =	sadd.s32 $0x7, s5;
	s5 =	sadd.s32 $0x8, s5;
	v7 =	vld.idx.msk [tilespmem:v17+s2+$0x0], $0xffff;
	[tilespmem:s13+$0x0] =	vst v16  }
0x96: {  	_ =	sdelay $0x2  }
0x97: {  	[tilespmem:s13+$0x80] =	vst v6  }
0x98: {  	s5 =	sadd.s32 $0x1, s9;
	v6 =	vadd.s32 s11, v1;
	v11 =	vld.idx.msk [tilespmem:v11+s2+$0x0], $0xffff;
	[tilespmem:s13+$0x100] =	vst v5  }
0x99: {  	s24 =	sadd.s32 $0x2, s9;
	v12 =	vld.idx.msk [tilespmem:v12+s2+$0x0], $0xffff;
	s11 =	sadd.s32 $0x800, s13;
	v5 =	vadd.s32 s5, v1;
	[tilespmem:s13+$0xFFFFFE00] =	vst v4  }
0x9a: {  	v9 =	vld.idx.msk [tilespmem:v9+s2+$0x0], $0xffff;
	v4 =	vadd.s32 s24, v1;
	s13 =	sadd.s32 $0x3, s9;
	[tilespmem:s11+$0x180] =	vst v2  }
0x9b: {  	s19 =	sadd.s32 $0x4, s9;
	v10 =	vld.idx.msk [tilespmem:v10+s2+$0x0], $0xffff;
	v2 =	vadd.s32 s13, v1;
	[tilespmem:s11+$0xFFFFFE80] =	vst v3  }
0x9c: {  	s22 =	sadd.s32 $0x5, s9;
	v8 =	vld.idx.msk [tilespmem:v8+s2+$0x0], $0xffff;
	v3 =	vadd.s32 s19, v1;
	[tilespmem:s11+$0xFFFFFF00] =	vst v7  }
0x9d: {  	s24 =	sadd.s32 $0x6, s9;
	v7 =	vadd.s32 s22, v1;
	v6 =	vld.idx.msk [tilespmem:v6+s2+$0x0], $0xffff;
	[tilespmem:s11+$0xFFFFFF80] =	vst v11  }
0x9e: {  	v11 =	vadd.s32 s24, v1;
	[tilespmem:s11+$0x0] =	vst v12;
	v5 =	vld.idx.msk [tilespmem:v5+s2+$0x0], $0xffff  }
0x9f: {  	v1 =	vadd.s32 s9, v1;
	[tilespmem:s11+$0x80] =	vst v9;
	v4 =	vld.idx.msk [tilespmem:v4+s2+$0x0], $0xffff  }
0xa0: {  	[tilespmem:s11+$0x100] =	vst v10;
	v2 =	vld.idx.msk [tilespmem:v2+s2+$0x0], $0xffff  }
0xa1: {  	[tilespmem:s11+$0xFFFFFE00] =	vst v8;
	s11 =	sadd.s32 $0x800, s11;
	v3 =	vld.idx.msk [tilespmem:v3+s2+$0x0], $0xffff  }
0xa2: {  	v7 =	vld.idx.msk [tilespmem:v7+s2+$0x0], $0xffff;
	[tilespmem:s11+$0x180] =	vst v6  }
0xa3: {  	v6 =	vld.idx.msk [tilespmem:v11+s2+$0x0], $0xffff;
	[tilespmem:s11+$0xFFFFFE80] =	vst v5  }
0xa4: {  	v1 =	vld.idx.msk [tilespmem:v1+s2+$0x0], $0xffff;
	[tilespmem:s11+$0xFFFFFF00] =	vst v4  }
0xa5: {  	[tilespmem:s11+$0xFFFFFF80] =	vst v2  }
0xa6: {  	[tilespmem:s11+$0x0] =	vst v3  }
0xa7: {  	[tilespmem:s11+$0x80] =	vst v7  }
0xa8: {  	[tilespmem:s11+$0x100] =	vst v6  }
0xa9: {  	[tilespmem:s11+$0xFFFFFE00] =	vst v1  }
0xaa: {  	v1 =	vld [tilespmem:s20+$0x30];
	_ =	sdelay $0x4  }
0xab: {  	v1 =	vmul.u32 $0x41, v1;
	_ =	sdelay $0x1  }
0xac: {  	s13 =	simm.s32 $0x7;
	v1 =	vadd.s32 v0, v1  }
0xad: {  	s19 =	simm.s32 $0x1;
	v2 =	vadd.s32 s13, v1  }
0xae: {  	s22 =	simm.s32 $0x2;
	v3 =	vadd.s32 s19, v1  }
0xaf: {  	s24 =	simm.s32 $0x3;
	v4 =	vadd.s32 s22, v1  }
0xb0: {  	s9 =	simm.s32 $0x4;
	v5 =	vadd.s32 s24, v1  }
0xb1: {  	s11 =	simm.s32 $0x5;
	v6 =	vadd.s32 s9, v1  }
0xb2: {  	v7 =	vadd.s32 s11, v1;
	s13 =	simm.s32 $0x6;
	v2 =	vld.idx.msk [tilespmem:v2+s2+$0x0], $0xffff  }
0xb3: {  	s22 =	simm.s32 $0xF;
	v8 =	vadd.s32 s13, v1;
	v3 =	vld.idx.msk [tilespmem:v3+s2+$0x0], $0xffff  }
0xb4: {  	s19 =	simm.s32 $0x0;
	v12 =	vadd.s32 s22, v1;
	v10 =	vld.idx.msk [tilespmem:v4+s2+$0x0], $0xffff  }
0xb5: {  	s9 =	simm.s32 $0xA;
	v9 =	vadd.s32 s19, v1;
	v13 =	vld.idx.msk [tilespmem:v5+s2+$0x0], $0xffff  }
0xb6: {  	s24 =	simm.s32 $0x9;
	v16 =	vadd.s32 s9, v1;
	v15 =	vld.idx.msk [tilespmem:v6+s2+$0x0], $0xffff  }
0xb7: {  	s11 =	simm.s32 $0xB;
	v14 =	vadd.s32 s24, v1;
	v6 =	vld.idx.msk [tilespmem:v7+s2+$0x0], $0xffff  }
0xb8: {  	v11 =	vadd.s32 s11, v1;
	s13 =	simm.s32 $0xC;
	v5 =	vld.idx.msk [tilespmem:v8+s2+$0x0], $0xffff;
	[tilespmem:s12+$0x180] =	vst v2  }
0xb9: {  	s19 =	simm.s32 $0xD;
	[tilespmem:s12+$0xFFFFFE80] =	vst v3;
	v2 =	vld.idx.msk [tilespmem:v12+s2+$0x0], $0xffff;
	v12 =	vadd.s32 s13, v1  }
0xba: {  	s24 =	simm.s32 $0xE;
	v4 =	vld.idx.msk [tilespmem:v9+s2+$0x0], $0xffff;
	v9 =	vadd.s32 s19, v1;
	[tilespmem:s12+$0xFFFFFF00] =	vst v10  }
0xbb: {  	s22 =	simm.s32 $0x8;
	v7 =	vld.idx.msk [tilespmem:v16+s2+$0x0], $0xffff;
	[tilespmem:s12+$0xFFFFFF80] =	vst v13;
	v10 =	vadd.s32 s24, v1  }
0xbc: {  	s5 =	simm.s32 $0x18;
	s9 =	simm.s32 $0x10;
	s11 =	simm.s32 $0x17;
	v8 =	vadd.s32 s22, v1;
	v3 =	vld.idx.msk [tilespmem:v14+s2+$0x0], $0xffff;
	[tilespmem:s12+$0x0] =	vst v15  }
.LBB2_9:
0xbd: {  	p1 =	slt.u32 s5, $0x38;
	s13 =	sadd.s32 $0x1, s9;
	v13 =	vadd.s32 s11, v1;
	v14 =	vld.idx.msk [tilespmem:v11+s2+$0x0], $0xffff;
	[tilespmem:s12+$0x80] =	vst v6  }
0xbe: {  	s11 =	sadd.s32 $0x2, s9;
	v15 =	vadd.s32 s13, v1;
	v16 =	vld.idx.msk [tilespmem:v12+s2+$0x0], $0xffff;
	[tilespmem:s12+$0x100] =	vst v5  }
0xbf: {  	v17 =	vadd.s32 s11, v1;
	s11 =	sadd.s32 $0x3, s9;
	v6 =	vld.idx.msk [tilespmem:v9+s2+$0x0], $0xffff;
	[tilespmem:s12+$0xFFFFFE00] =	vst v4;
	s12 =	sadd.s32 $0x800, s12  }
.Ltmp3:
0xc0: {  	v11 =	vadd.s32 s11, v1;
	s11 =	sadd.s32 $0x4, s9;
	v5 =	vld.idx.msk [tilespmem:v10+s2+$0x0], $0xffff;
	[tilespmem:s12+$0x180] =	vst v2;
	(pc) =	sbr.rel @p1 .LBB2_9-.Ltmp3, $4  }
0xc1: {  	v12 =	vadd.s32 s11, v1;
	s11 =	sadd.s32 $0x5, s9;
	v4 =	vld.idx.msk [tilespmem:v8+s2+$0x0], $0xffff;
	[tilespmem:s12+$0xFFFFFE80] =	vst v3  }
0xc2: {  	v9 =	vadd.s32 s11, v1;
	s11 =	sadd.s32 $0x6, s9;
	v2 =	vld.idx.msk [tilespmem:v13+s2+$0x0], $0xffff;
	[tilespmem:s12+$0xFFFFFF00] =	vst v7  }
0xc3: {  	v10 =	vadd.s32 s11, v1;
	v3 =	vld.idx.msk [tilespmem:v15+s2+$0x0], $0xffff;
	[tilespmem:s12+$0xFFFFFF80] =	vst v14  }
0xc4: {  	v8 =	vadd.s32 s9, v1;
	s9 =	smov.u32 s5;
	s11 =	sadd.s32 $0x7, s5;
	s5 =	sadd.s32 $0x8, s5;
	v7 =	vld.idx.msk [tilespmem:v17+s2+$0x0], $0xffff;
	[tilespmem:s12+$0x0] =	vst v16  }
0xc5: {  	_ =	sdelay $0x2  }
0xc6: {  	[tilespmem:s12+$0x80] =	vst v6  }
0xc7: {  	s5 =	sadd.s32 $0x1, s9;
	v6 =	vadd.s32 s11, v1;
	v11 =	vld.idx.msk [tilespmem:v11+s2+$0x0], $0xffff;
	[tilespmem:s12+$0x100] =	vst v5  }
0xc8: {  	s11 =	sadd.s32 $0x2, s9;
	v12 =	vld.idx.msk [tilespmem:v12+s2+$0x0], $0xffff;
	s13 =	sadd.s32 $0x800, s12;
	v5 =	vadd.s32 s5, v1;
	[tilespmem:s12+$0xFFFFFE00] =	vst v4  }
0xc9: {  	s19 =	sadd.s32 $0x3, s9;
	v9 =	vld.idx.msk [tilespmem:v9+s2+$0x0], $0xffff;
	v4 =	vadd.s32 s11, v1;
	[tilespmem:s13+$0x180] =	vst v2  }
0xca: {  	s22 =	sadd.s32 $0x4, s9;
	v10 =	vld.idx.msk [tilespmem:v10+s2+$0x0], $0xffff;
	v2 =	vadd.s32 s19, v1;
	[tilespmem:s13+$0xFFFFFE80] =	vst v3  }
0xcb: {  	s24 =	sadd.s32 $0x5, s9;
	v8 =	vld.idx.msk [tilespmem:v8+s2+$0x0], $0xffff;
	v3 =	vadd.s32 s22, v1;
	[tilespmem:s13+$0xFFFFFF00] =	vst v7  }
0xcc: {  	s12 =	sadd.s32 $0x6, s9;
	v7 =	vadd.s32 s24, v1;
	v6 =	vld.idx.msk [tilespmem:v6+s2+$0x0], $0xffff;
	[tilespmem:s13+$0xFFFFFF80] =	vst v11  }
0xcd: {  	v11 =	vadd.s32 s12, v1;
	[tilespmem:s13+$0x0] =	vst v12;
	v5 =	vld.idx.msk [tilespmem:v5+s2+$0x0], $0xffff  }
0xce: {  	v1 =	vadd.s32 s9, v1;
	[tilespmem:s13+$0x80] =	vst v9;
	v4 =	vld.idx.msk [tilespmem:v4+s2+$0x0], $0xffff  }
0xcf: {  	[tilespmem:s13+$0x100] =	vst v10;
	v2 =	vld.idx.msk [tilespmem:v2+s2+$0x0], $0xffff  }
0xd0: {  	[tilespmem:s13+$0xFFFFFE00] =	vst v8;
	s13 =	sadd.s32 $0x800, s13;
	v3 =	vld.idx.msk [tilespmem:v3+s2+$0x0], $0xffff  }
0xd1: {  	v7 =	vld.idx.msk [tilespmem:v7+s2+$0x0], $0xffff;
	[tilespmem:s13+$0x180] =	vst v6  }
0xd2: {  	v6 =	vld.idx.msk [tilespmem:v11+s2+$0x0], $0xffff;
	[tilespmem:s13+$0xFFFFFE80] =	vst v5  }
0xd3: {  	v1 =	vld.idx.msk [tilespmem:v1+s2+$0x0], $0xffff;
	[tilespmem:s13+$0xFFFFFF00] =	vst v4  }
0xd4: {  	[tilespmem:s13+$0xFFFFFF80] =	vst v2  }
0xd5: {  	[tilespmem:s13+$0x0] =	vst v3  }
0xd6: {  	[tilespmem:s13+$0x80] =	vst v7  }
0xd7: {  	[tilespmem:s13+$0x100] =	vst v6  }
0xd8: {  	[tilespmem:s13+$0xFFFFFE00] =	vst v1  }
0xd9: {  	v1 =	vld [tilespmem:s20+$0x40];
	_ =	sdelay $0x4  }
0xda: {  	v1 =	vmul.u32 $0x41, v1;
	_ =	sdelay $0x1  }
0xdb: {  	s19 =	simm.s32 $0x7;
	v1 =	vadd.s32 v0, v1  }
0xdc: {  	s22 =	simm.s32 $0x1;
	v2 =	vadd.s32 s19, v1  }
0xdd: {  	s24 =	simm.s32 $0x2;
	v3 =	vadd.s32 s22, v1  }
0xde: {  	s9 =	simm.s32 $0x3;
	v4 =	vadd.s32 s24, v1  }
0xdf: {  	s11 =	simm.s32 $0x4;
	v5 =	vadd.s32 s9, v1  }
0xe0: {  	s12 =	simm.s32 $0x5;
	v6 =	vadd.s32 s11, v1  }
0xe1: {  	s13 =	simm.s32 $0x6;
	v7 =	vadd.s32 s12, v1;
	v2 =	vld.idx.msk [tilespmem:v2+s2+$0x0], $0xffff  }
0xe2: {  	v8 =	vadd.s32 s13, v1;
	s22 =	simm.s32 $0xF;
	v3 =	vld.idx.msk [tilespmem:v3+s2+$0x0], $0xffff  }
0xe3: {  	s19 =	simm.s32 $0x0;
	v12 =	vadd.s32 s22, v1;
	v10 =	vld.idx.msk [tilespmem:v4+s2+$0x0], $0xffff  }
0xe4: {  	s11 =	simm.s32 $0xA;
	v9 =	vadd.s32 s19, v1;
	v13 =	vld.idx.msk [tilespmem:v5+s2+$0x0], $0xffff  }
0xe5: {  	s24 =	simm.s32 $0x9;
	v16 =	vadd.s32 s11, v1;
	v15 =	vld.idx.msk [tilespmem:v6+s2+$0x0], $0xffff  }
0xe6: {  	s12 =	simm.s32 $0xB;
	v14 =	vadd.s32 s24, v1;
	v6 =	vld.idx.msk [tilespmem:v7+s2+$0x0], $0xffff  }
0xe7: {  	s13 =	simm.s32 $0xC;
	v11 =	vadd.s32 s12, v1;
	v5 =	vld.idx.msk [tilespmem:v8+s2+$0x0], $0xffff;
	[tilespmem:s7+$0x180] =	vst v2  }
0xe8: {  	s19 =	simm.s32 $0xD;
	[tilespmem:s7+$0xFFFFFE80] =	vst v3;
	v2 =	vld.idx.msk [tilespmem:v12+s2+$0x0], $0xffff;
	v12 =	vadd.s32 s13, v1  }
0xe9: {  	s24 =	simm.s32 $0xE;
	v4 =	vld.idx.msk [tilespmem:v9+s2+$0x0], $0xffff;
	v9 =	vadd.s32 s19, v1;
	[tilespmem:s7+$0xFFFFFF00] =	vst v10  }
0xea: {  	s22 =	simm.s32 $0x8;
	v7 =	vld.idx.msk [tilespmem:v16+s2+$0x0], $0xffff;
	[tilespmem:s7+$0xFFFFFF80] =	vst v13;
	v10 =	vadd.s32 s24, v1  }
0xeb: {  	s5 =	simm.s32 $0x18;
	s9 =	simm.s32 $0x10;
	s11 =	simm.s32 $0x17;
	v8 =	vadd.s32 s22, v1;
	v3 =	vld.idx.msk [tilespmem:v14+s2+$0x0], $0xffff;
	[tilespmem:s7+$0x0] =	vst v15  }
.LBB2_11:
0xec: {  	p1 =	slt.u32 s5, $0x38;
	s12 =	sadd.s32 $0x1, s9;
	v13 =	vadd.s32 s11, v1;
	v14 =	vld.idx.msk [tilespmem:v11+s2+$0x0], $0xffff;
	[tilespmem:s7+$0x80] =	vst v6  }
0xed: {  	s11 =	sadd.s32 $0x2, s9;
	v15 =	vadd.s32 s12, v1;
	v16 =	vld.idx.msk [tilespmem:v12+s2+$0x0], $0xffff;
	[tilespmem:s7+$0x100] =	vst v5  }
0xee: {  	v17 =	vadd.s32 s11, v1;
	s11 =	sadd.s32 $0x3, s9;
	v6 =	vld.idx.msk [tilespmem:v9+s2+$0x0], $0xffff;
	[tilespmem:s7+$0xFFFFFE00] =	vst v4;
	s7 =	sadd.s32 $0x800, s7  }
.Ltmp4:
0xef: {  	v11 =	vadd.s32 s11, v1;
	s11 =	sadd.s32 $0x4, s9;
	v5 =	vld.idx.msk [tilespmem:v10+s2+$0x0], $0xffff;
	[tilespmem:s7+$0x180] =	vst v2;
	(pc) =	sbr.rel @p1 .LBB2_11-.Ltmp4, $4  }
0xf0: {  	v12 =	vadd.s32 s11, v1;
	s11 =	sadd.s32 $0x5, s9;
	v4 =	vld.idx.msk [tilespmem:v8+s2+$0x0], $0xffff;
	[tilespmem:s7+$0xFFFFFE80] =	vst v3  }
0xf1: {  	v9 =	vadd.s32 s11, v1;
	s11 =	sadd.s32 $0x6, s9;
	v2 =	vld.idx.msk [tilespmem:v13+s2+$0x0], $0xffff;
	[tilespmem:s7+$0xFFFFFF00] =	vst v7  }
0xf2: {  	v10 =	vadd.s32 s11, v1;
	v3 =	vld.idx.msk [tilespmem:v15+s2+$0x0], $0xffff;
	[tilespmem:s7+$0xFFFFFF80] =	vst v14  }
0xf3: {  	v8 =	vadd.s32 s9, v1;
	s9 =	smov.u32 s5;
	s11 =	sadd.s32 $0x7, s5;
	s5 =	sadd.s32 $0x8, s5;
	v7 =	vld.idx.msk [tilespmem:v17+s2+$0x0], $0xffff;
	[tilespmem:s7+$0x0] =	vst v16  }
0xf4: {  	_ =	sdelay $0x2  }
0xf5: {  	[tilespmem:s7+$0x80] =	vst v6  }
0xf6: {  	s5 =	sadd.s32 $0x1, s9;
	v6 =	vadd.s32 s11, v1;
	v11 =	vld.idx.msk [tilespmem:v11+s2+$0x0], $0xffff;
	[tilespmem:s7+$0x100] =	vst v5  }
0xf7: {  	s19 =	sadd.s32 $0x2, s9;
	v12 =	vld.idx.msk [tilespmem:v12+s2+$0x0], $0xffff;
	s22 =	sadd.s32 $0x800, s7;
	v5 =	vadd.s32 s5, v1;
	[tilespmem:s7+$0xFFFFFE00] =	vst v4  }
0xf8: {  	s24 =	sadd.s32 $0x3, s9;
	v9 =	vld.idx.msk [tilespmem:v9+s2+$0x0], $0xffff;
	v4 =	vadd.s32 s19, v1;
	[tilespmem:s22+$0x180] =	vst v2  }
0xf9: {  	s11 =	sadd.s32 $0x4, s9;
	v10 =	vld.idx.msk [tilespmem:v10+s2+$0x0], $0xffff;
	v2 =	vadd.s32 s24, v1;
	[tilespmem:s22+$0xFFFFFE80] =	vst v3  }
0xfa: {  	s12 =	sadd.s32 $0x5, s9;
	v8 =	vld.idx.msk [tilespmem:v8+s2+$0x0], $0xffff;
	v3 =	vadd.s32 s11, v1;
	[tilespmem:s22+$0xFFFFFF00] =	vst v7  }
0xfb: {  	s13 =	sadd.s32 $0x6, s9;
	v7 =	vadd.s32 s12, v1;
	v6 =	vld.idx.msk [tilespmem:v6+s2+$0x0], $0xffff;
	[tilespmem:s22+$0xFFFFFF80] =	vst v11  }
0xfc: {  	v11 =	vadd.s32 s13, v1;
	[tilespmem:s22+$0x0] =	vst v12;
	v5 =	vld.idx.msk [tilespmem:v5+s2+$0x0], $0xffff  }
0xfd: {  	v1 =	vadd.s32 s9, v1;
	[tilespmem:s22+$0x80] =	vst v9;
	v4 =	vld.idx.msk [tilespmem:v4+s2+$0x0], $0xffff  }
0xfe: {  	[tilespmem:s22+$0x100] =	vst v10;
	v2 =	vld.idx.msk [tilespmem:v2+s2+$0x0], $0xffff  }
0xff: {  	s19 =	sadd.s32 $0x800, s22;
	[tilespmem:s22+$0xFFFFFE00] =	vst v8;
	v3 =	vld.idx.msk [tilespmem:v3+s2+$0x0], $0xffff  }
0x100: {  	v7 =	vld.idx.msk [tilespmem:v7+s2+$0x0], $0xffff;
	[tilespmem:s19+$0x180] =	vst v6  }
0x101: {  	v6 =	vld.idx.msk [tilespmem:v11+s2+$0x0], $0xffff;
	[tilespmem:s19+$0xFFFFFE80] =	vst v5  }
0x102: {  	v1 =	vld.idx.msk [tilespmem:v1+s2+$0x0], $0xffff;
	[tilespmem:s19+$0xFFFFFF00] =	vst v4  }
0x103: {  	[tilespmem:s19+$0xFFFFFF80] =	vst v2  }
0x104: {  	[tilespmem:s19+$0x0] =	vst v3  }
0x105: {  	[tilespmem:s19+$0x80] =	vst v7  }
0x106: {  	[tilespmem:s19+$0x100] =	vst v6  }
0x107: {  	[tilespmem:s19+$0xFFFFFE00] =	vst v1  }
0x108: {  	v1 =	vld [tilespmem:s20+$0x50];
	_ =	sdelay $0x4  }
0x109: {  	v1 =	vmul.u32 $0x41, v1;
	_ =	sdelay $0x1  }
0x10a: {  	s22 =	simm.s32 $0x7;
	v1 =	vadd.s32 v0, v1  }
0x10b: {  	s24 =	simm.s32 $0x1;
	v2 =	vadd.s32 s22, v1  }
0x10c: {  	s9 =	simm.s32 $0x2;
	v3 =	vadd.s32 s24, v1  }
0x10d: {  	s11 =	simm.s32 $0x3;
	v4 =	vadd.s32 s9, v1  }
0x10e: {  	s12 =	simm.s32 $0x4;
	v5 =	vadd.s32 s11, v1  }
0x10f: {  	s13 =	simm.s32 $0x5;
	v6 =	vadd.s32 s12, v1  }
0x110: {  	s19 =	simm.s32 $0x6;
	v7 =	vadd.s32 s13, v1;
	v2 =	vld.idx.msk [tilespmem:v2+s2+$0x0], $0xffff  }
0x111: {  	v8 =	vadd.s32 s19, v1;
	s24 =	simm.s32 $0xF;
	v3 =	vld.idx.msk [tilespmem:v3+s2+$0x0], $0xffff  }
0x112: {  	s22 =	simm.s32 $0x0;
	v12 =	vadd.s32 s24, v1;
	v10 =	vld.idx.msk [tilespmem:v4+s2+$0x0], $0xffff  }
0x113: {  	s11 =	simm.s32 $0xA;
	v9 =	vadd.s32 s22, v1;
	v13 =	vld.idx.msk [tilespmem:v5+s2+$0x0], $0xffff  }
0x114: {  	s9 =	simm.s32 $0x9;
	v16 =	vadd.s32 s11, v1;
	v15 =	vld.idx.msk [tilespmem:v6+s2+$0x0], $0xffff  }
0x115: {  	s12 =	simm.s32 $0xB;
	v14 =	vadd.s32 s9, v1;
	v6 =	vld.idx.msk [tilespmem:v7+s2+$0x0], $0xffff  }
0x116: {  	s13 =	simm.s32 $0xC;
	v11 =	vadd.s32 s12, v1;
	v5 =	vld.idx.msk [tilespmem:v8+s2+$0x0], $0xffff;
	[tilespmem:s6+$0x180] =	vst v2  }
0x117: {  	s19 =	simm.s32 $0xD;
	[tilespmem:s6+$0xFFFFFE80] =	vst v3;
	v2 =	vld.idx.msk [tilespmem:v12+s2+$0x0], $0xffff;
	v12 =	vadd.s32 s13, v1  }
0x118: {  	s24 =	simm.s32 $0xE;
	v4 =	vld.idx.msk [tilespmem:v9+s2+$0x0], $0xffff;
	v9 =	vadd.s32 s19, v1;
	[tilespmem:s6+$0xFFFFFF00] =	vst v10  }
0x119: {  	s22 =	simm.s32 $0x8;
	v7 =	vld.idx.msk [tilespmem:v16+s2+$0x0], $0xffff;
	[tilespmem:s6+$0xFFFFFF80] =	vst v13;
	v10 =	vadd.s32 s24, v1  }
0x11a: {  	s7 =	simm.s32 $0x10;
	s5 =	simm.s32 $0x18;
	s9 =	simm.s32 $0x17;
	v8 =	vadd.s32 s22, v1;
	v3 =	vld.idx.msk [tilespmem:v14+s2+$0x0], $0xffff;
	[tilespmem:s6+$0x0] =	vst v15  }
.LBB2_13:
0x11b: {  	p1 =	slt.u32 s5, $0x38;
	s11 =	sadd.s32 $0x1, s7;
	v13 =	vadd.s32 s9, v1;
	v14 =	vld.idx.msk [tilespmem:v11+s2+$0x0], $0xffff;
	[tilespmem:s6+$0x80] =	vst v6  }
0x11c: {  	s9 =	sadd.s32 $0x2, s7;
	v15 =	vadd.s32 s11, v1;
	v16 =	vld.idx.msk [tilespmem:v12+s2+$0x0], $0xffff;
	[tilespmem:s6+$0x100] =	vst v5  }
0x11d: {  	v17 =	vadd.s32 s9, v1;
	s9 =	sadd.s32 $0x3, s7;
	v6 =	vld.idx.msk [tilespmem:v9+s2+$0x0], $0xffff;
	[tilespmem:s6+$0xFFFFFE00] =	vst v4;
	s6 =	sadd.s32 $0x800, s6  }
.Ltmp5:
0x11e: {  	v11 =	vadd.s32 s9, v1;
	s9 =	sadd.s32 $0x4, s7;
	v5 =	vld.idx.msk [tilespmem:v10+s2+$0x0], $0xffff;
	[tilespmem:s6+$0x180] =	vst v2;
	(pc) =	sbr.rel @p1 .LBB2_13-.Ltmp5, $4  }
0x11f: {  	v12 =	vadd.s32 s9, v1;
	s9 =	sadd.s32 $0x5, s7;
	v4 =	vld.idx.msk [tilespmem:v8+s2+$0x0], $0xffff;
	[tilespmem:s6+$0xFFFFFE80] =	vst v3  }
0x120: {  	v9 =	vadd.s32 s9, v1;
	s9 =	sadd.s32 $0x6, s7;
	v2 =	vld.idx.msk [tilespmem:v13+s2+$0x0], $0xffff;
	[tilespmem:s6+$0xFFFFFF00] =	vst v7  }
0x121: {  	v10 =	vadd.s32 s9, v1;
	v3 =	vld.idx.msk [tilespmem:v15+s2+$0x0], $0xffff;
	[tilespmem:s6+$0xFFFFFF80] =	vst v14  }
0x122: {  	v8 =	vadd.s32 s7, v1;
	s7 =	smov.u32 s5;
	s9 =	sadd.s32 $0x7, s5;
	s5 =	sadd.s32 $0x8, s5;
	v7 =	vld.idx.msk [tilespmem:v17+s2+$0x0], $0xffff;
	[tilespmem:s6+$0x0] =	vst v16  }
0x123: {  	_ =	sdelay $0x2  }
0x124: {  	[tilespmem:s6+$0x80] =	vst v6  }
0x125: {  	s5 =	sadd.s32 $0x1, s7;
	v6 =	vadd.s32 s9, v1;
	v11 =	vld.idx.msk [tilespmem:v11+s2+$0x0], $0xffff;
	[tilespmem:s6+$0x100] =	vst v5  }
0x126: {  	s11 =	sadd.s32 $0x2, s7;
	v12 =	vld.idx.msk [tilespmem:v12+s2+$0x0], $0xffff;
	s12 =	sadd.s32 $0x800, s6;
	v5 =	vadd.s32 s5, v1;
	[tilespmem:s6+$0xFFFFFE00] =	vst v4  }
0x127: {  	s13 =	sadd.s32 $0x3, s7;
	v9 =	vld.idx.msk [tilespmem:v9+s2+$0x0], $0xffff;
	v4 =	vadd.s32 s11, v1;
	[tilespmem:s12+$0x180] =	vst v2  }
0x128: {  	s19 =	sadd.s32 $0x4, s7;
	v10 =	vld.idx.msk [tilespmem:v10+s2+$0x0], $0xffff;
	v2 =	vadd.s32 s13, v1;
	[tilespmem:s12+$0xFFFFFE80] =	vst v3  }
0x129: {  	s22 =	sadd.s32 $0x5, s7;
	v8 =	vld.idx.msk [tilespmem:v8+s2+$0x0], $0xffff;
	v3 =	vadd.s32 s19, v1;
	[tilespmem:s12+$0xFFFFFF00] =	vst v7  }
0x12a: {  	s24 =	sadd.s32 $0x6, s7;
	v7 =	vadd.s32 s22, v1;
	v6 =	vld.idx.msk [tilespmem:v6+s2+$0x0], $0xffff;
	[tilespmem:s12+$0xFFFFFF80] =	vst v11  }
0x12b: {  	v11 =	vadd.s32 s24, v1;
	[tilespmem:s12+$0x0] =	vst v12;
	v5 =	vld.idx.msk [tilespmem:v5+s2+$0x0], $0xffff  }
0x12c: {  	v1 =	vadd.s32 s7, v1;
	[tilespmem:s12+$0x80] =	vst v9;
	v4 =	vld.idx.msk [tilespmem:v4+s2+$0x0], $0xffff  }
0x12d: {  	[tilespmem:s12+$0x100] =	vst v10;
	v2 =	vld.idx.msk [tilespmem:v2+s2+$0x0], $0xffff  }
0x12e: {  	s6 =	sadd.s32 $0x800, s12;
	[tilespmem:s12+$0xFFFFFE00] =	vst v8;
	v3 =	vld.idx.msk [tilespmem:v3+s2+$0x0], $0xffff  }
0x12f: {  	v7 =	vld.idx.msk [tilespmem:v7+s2+$0x0], $0xffff;
	[tilespmem:s6+$0x180] =	vst v6  }
0x130: {  	v6 =	vld.idx.msk [tilespmem:v11+s2+$0x0], $0xffff;
	[tilespmem:s6+$0xFFFFFE80] =	vst v5  }
0x131: {  	v1 =	vld.idx.msk [tilespmem:v1+s2+$0x0], $0xffff;
	[tilespmem:s6+$0xFFFFFF00] =	vst v4  }
0x132: {  	[tilespmem:s6+$0xFFFFFF80] =	vst v2  }
0x133: {  	[tilespmem:s6+$0x0] =	vst v3  }
0x134: {  	[tilespmem:s6+$0x80] =	vst v7  }
0x135: {  	[tilespmem:s6+$0x100] =	vst v6  }
0x136: {  	[tilespmem:s6+$0xFFFFFE00] =	vst v1  }
0x137: {  	v1 =	vld [tilespmem:s20+$0x60];
	_ =	sdelay $0x4  }
0x138: {  	v1 =	vmul.u32 $0x41, v1;
	_ =	sdelay $0x1  }
0x139: {  	s7 =	simm.s32 $0x7;
	v1 =	vadd.s32 v0, v1  }
0x13a: {  	s9 =	simm.s32 $0x1;
	v2 =	vadd.s32 s7, v1  }
0x13b: {  	s11 =	simm.s32 $0x2;
	v3 =	vadd.s32 s9, v1  }
0x13c: {  	s12 =	simm.s32 $0x3;
	v4 =	vadd.s32 s11, v1  }
0x13d: {  	s13 =	simm.s32 $0x4;
	v5 =	vadd.s32 s12, v1  }
0x13e: {  	s19 =	simm.s32 $0x5;
	v6 =	vadd.s32 s13, v1  }
0x13f: {  	s22 =	simm.s32 $0x6;
	v7 =	vadd.s32 s19, v1;
	v2 =	vld.idx.msk [tilespmem:v2+s2+$0x0], $0xffff  }
0x140: {  	v8 =	vadd.s32 s22, v1;
	s7 =	simm.s32 $0xF;
	v3 =	vld.idx.msk [tilespmem:v3+s2+$0x0], $0xffff  }
0x141: {  	s24 =	simm.s32 $0x0;
	v12 =	vadd.s32 s7, v1;
	v10 =	vld.idx.msk [tilespmem:v4+s2+$0x0], $0xffff  }
0x142: {  	v9 =	vadd.s32 s24, v1;
	s11 =	simm.s32 $0xA;
	v13 =	vld.idx.msk [tilespmem:v5+s2+$0x0], $0xffff  }
0x143: {  	s9 =	simm.s32 $0x9;
	v16 =	vadd.s32 s11, v1;
	v15 =	vld.idx.msk [tilespmem:v6+s2+$0x0], $0xffff  }
0x144: {  	s12 =	simm.s32 $0xB;
	v14 =	vadd.s32 s9, v1;
	v6 =	vld.idx.msk [tilespmem:v7+s2+$0x0], $0xffff  }
0x145: {  	s13 =	simm.s32 $0xC;
	v11 =	vadd.s32 s12, v1;
	v5 =	vld.idx.msk [tilespmem:v8+s2+$0x0], $0xffff;
	[tilespmem:s4+$0x180] =	vst v2  }
0x146: {  	s19 =	simm.s32 $0xD;
	[tilespmem:s4+$0xFFFFFE80] =	vst v3;
	v2 =	vld.idx.msk [tilespmem:v12+s2+$0x0], $0xffff;
	v12 =	vadd.s32 s13, v1  }
0x147: {  	s24 =	simm.s32 $0xE;
	v4 =	vld.idx.msk [tilespmem:v9+s2+$0x0], $0xffff;
	v9 =	vadd.s32 s19, v1;
	[tilespmem:s4+$0xFFFFFF00] =	vst v10  }
0x148: {  	s22 =	simm.s32 $0x8;
	v7 =	vld.idx.msk [tilespmem:v16+s2+$0x0], $0xffff;
	[tilespmem:s4+$0xFFFFFF80] =	vst v13;
	v10 =	vadd.s32 s24, v1  }
0x149: {  	s5 =	simm.s32 $0x18;
	s6 =	simm.s32 $0x10;
	s7 =	simm.s32 $0x17;
	v8 =	vadd.s32 s22, v1;
	v3 =	vld.idx.msk [tilespmem:v14+s2+$0x0], $0xffff;
	[tilespmem:s4+$0x0] =	vst v15  }
.LBB2_15:
0x14a: {  	p1 =	slt.u32 s5, $0x38;
	s9 =	sadd.s32 $0x1, s6;
	v13 =	vadd.s32 s7, v1;
	v14 =	vld.idx.msk [tilespmem:v11+s2+$0x0], $0xffff;
	[tilespmem:s4+$0x80] =	vst v6  }
0x14b: {  	s7 =	sadd.s32 $0x2, s6;
	v15 =	vadd.s32 s9, v1;
	v16 =	vld.idx.msk [tilespmem:v12+s2+$0x0], $0xffff;
	[tilespmem:s4+$0x100] =	vst v5  }
0x14c: {  	v17 =	vadd.s32 s7, v1;
	s7 =	sadd.s32 $0x3, s6;
	v6 =	vld.idx.msk [tilespmem:v9+s2+$0x0], $0xffff;
	[tilespmem:s4+$0xFFFFFE00] =	vst v4;
	s4 =	sadd.s32 $0x800, s4  }
.Ltmp6:
0x14d: {  	v11 =	vadd.s32 s7, v1;
	s7 =	sadd.s32 $0x4, s6;
	v5 =	vld.idx.msk [tilespmem:v10+s2+$0x0], $0xffff;
	[tilespmem:s4+$0x180] =	vst v2;
	(pc) =	sbr.rel @p1 .LBB2_15-.Ltmp6, $4  }
0x14e: {  	v12 =	vadd.s32 s7, v1;
	s7 =	sadd.s32 $0x5, s6;
	v4 =	vld.idx.msk [tilespmem:v8+s2+$0x0], $0xffff;
	[tilespmem:s4+$0xFFFFFE80] =	vst v3  }
0x14f: {  	v9 =	vadd.s32 s7, v1;
	s7 =	sadd.s32 $0x6, s6;
	v2 =	vld.idx.msk [tilespmem:v13+s2+$0x0], $0xffff;
	[tilespmem:s4+$0xFFFFFF00] =	vst v7  }
0x150: {  	v10 =	vadd.s32 s7, v1;
	v3 =	vld.idx.msk [tilespmem:v15+s2+$0x0], $0xffff;
	[tilespmem:s4+$0xFFFFFF80] =	vst v14  }
0x151: {  	v8 =	vadd.s32 s6, v1;
	s6 =	smov.u32 s5;
	s7 =	sadd.s32 $0x7, s5;
	s5 =	sadd.s32 $0x8, s5;
	v7 =	vld.idx.msk [tilespmem:v17+s2+$0x0], $0xffff;
	[tilespmem:s4+$0x0] =	vst v16  }
0x152: {  	_ =	sdelay $0x2  }
0x153: {  	[tilespmem:s4+$0x80] =	vst v6  }
0x154: {  	s5 =	sadd.s32 $0x1, s6;
	v6 =	vadd.s32 s7, v1;
	v11 =	vld.idx.msk [tilespmem:v11+s2+$0x0], $0xffff;
	[tilespmem:s4+$0x100] =	vst v5  }
0x155: {  	s13 =	sadd.s32 $0x2, s6;
	v12 =	vld.idx.msk [tilespmem:v12+s2+$0x0], $0xffff;
	s19 =	sadd.s32 $0x800, s4;
	v5 =	vadd.s32 s5, v1;
	[tilespmem:s4+$0xFFFFFE00] =	vst v4  }
0x156: {  	s22 =	sadd.s32 $0x3, s6;
	v9 =	vld.idx.msk [tilespmem:v9+s2+$0x0], $0xffff;
	v4 =	vadd.s32 s13, v1;
	[tilespmem:s19+$0x180] =	vst v2  }
0x157: {  	s24 =	sadd.s32 $0x4, s6;
	v10 =	vld.idx.msk [tilespmem:v10+s2+$0x0], $0xffff;
	v2 =	vadd.s32 s22, v1;
	[tilespmem:s19+$0xFFFFFE80] =	vst v3  }
0x158: {  	s7 =	sadd.s32 $0x5, s6;
	v8 =	vld.idx.msk [tilespmem:v8+s2+$0x0], $0xffff;
	v3 =	vadd.s32 s24, v1;
	[tilespmem:s19+$0xFFFFFF00] =	vst v7  }
0x159: {  	s9 =	sadd.s32 $0x6, s6;
	v7 =	vadd.s32 s7, v1;
	v6 =	vld.idx.msk [tilespmem:v6+s2+$0x0], $0xffff;
	[tilespmem:s19+$0xFFFFFF80] =	vst v11  }
0x15a: {  	v11 =	vadd.s32 s9, v1;
	[tilespmem:s19+$0x0] =	vst v12;
	v5 =	vld.idx.msk [tilespmem:v5+s2+$0x0], $0xffff  }
0x15b: {  	v1 =	vadd.s32 s6, v1;
	[tilespmem:s19+$0x80] =	vst v9;
	v4 =	vld.idx.msk [tilespmem:v4+s2+$0x0], $0xffff  }
0x15c: {  	[tilespmem:s19+$0x100] =	vst v10;
	v2 =	vld.idx.msk [tilespmem:v2+s2+$0x0], $0xffff  }
0x15d: {  	s4 =	sadd.s32 $0x800, s19;
	[tilespmem:s19+$0xFFFFFE00] =	vst v8;
	v3 =	vld.idx.msk [tilespmem:v3+s2+$0x0], $0xffff  }
0x15e: {  	v7 =	vld.idx.msk [tilespmem:v7+s2+$0x0], $0xffff;
	[tilespmem:s4+$0x180] =	vst v6  }
0x15f: {  	v6 =	vld.idx.msk [tilespmem:v11+s2+$0x0], $0xffff;
	[tilespmem:s4+$0xFFFFFE80] =	vst v5  }
0x160: {  	v1 =	vld.idx.msk [tilespmem:v1+s2+$0x0], $0xffff;
	[tilespmem:s4+$0xFFFFFF00] =	vst v4  }
0x161: {  	[tilespmem:s4+$0xFFFFFF80] =	vst v2  }
0x162: {  	[tilespmem:s4+$0x0] =	vst v3  }
0x163: {  	[tilespmem:s4+$0x80] =	vst v7  }
0x164: {  	[tilespmem:s4+$0x100] =	vst v6  }
0x165: {  	[tilespmem:s4+$0xFFFFFE00] =	vst v1  }
0x166: {  	v1 =	vld [tilespmem:s20+$0x70];
	_ =	sdelay $0x4  }
0x167: {  	v1 =	vmul.u32 $0x41, v1;
	_ =	sdelay $0x1  }
0x168: {  	s11 =	simm.s32 $0x7;
	v1 =	vadd.s32 v0, v1  }
0x169: {  	s12 =	simm.s32 $0x1;
	v2 =	vadd.s32 s11, v1  }
0x16a: {  	s13 =	simm.s32 $0x2;
	v3 =	vadd.s32 s12, v1  }
0x16b: {  	s19 =	simm.s32 $0x3;
	v4 =	vadd.s32 s13, v1  }
0x16c: {  	s22 =	simm.s32 $0x4;
	v5 =	vadd.s32 s19, v1  }
0x16d: {  	s24 =	simm.s32 $0x5;
	v6 =	vadd.s32 s22, v1  }
0x16e: {  	s5 =	simm.s32 $0x6;
	v7 =	vadd.s32 s24, v1;
	v2 =	vld.idx.msk [tilespmem:v2+s2+$0x0], $0xffff  }
0x16f: {  	s7 =	simm.s32 $0xF;
	v8 =	vadd.s32 s5, v1;
	v3 =	vld.idx.msk [tilespmem:v3+s2+$0x0], $0xffff  }
0x170: {  	s6 =	simm.s32 $0x0;
	v12 =	vadd.s32 s7, v1;
	v10 =	vld.idx.msk [tilespmem:v4+s2+$0x0], $0xffff  }
0x171: {  	v9 =	vadd.s32 s6, v1;
	s11 =	simm.s32 $0xA;
	v13 =	vld.idx.msk [tilespmem:v5+s2+$0x0], $0xffff  }
0x172: {  	s9 =	simm.s32 $0x9;
	v16 =	vadd.s32 s11, v1;
	v15 =	vld.idx.msk [tilespmem:v6+s2+$0x0], $0xffff  }
0x173: {  	v14 =	vadd.s32 s9, v1;
	s12 =	simm.s32 $0xB;
	v6 =	vld.idx.msk [tilespmem:v7+s2+$0x0], $0xffff  }
0x174: {  	s13 =	simm.s32 $0xC;
	v11 =	vadd.s32 s12, v1;
	v5 =	vld.idx.msk [tilespmem:v8+s2+$0x0], $0xffff;
	[tilespmem:s3+$0x180] =	vst v2  }
0x175: {  	s19 =	simm.s32 $0xD;
	[tilespmem:s3+$0xFFFFFE80] =	vst v3;
	v2 =	vld.idx.msk [tilespmem:v12+s2+$0x0], $0xffff;
	v12 =	vadd.s32 s13, v1  }
0x176: {  	s24 =	simm.s32 $0xE;
	v4 =	vld.idx.msk [tilespmem:v9+s2+$0x0], $0xffff;
	v9 =	vadd.s32 s19, v1;
	[tilespmem:s3+$0xFFFFFF00] =	vst v10  }
0x177: {  	s22 =	simm.s32 $0x8;
	v7 =	vld.idx.msk [tilespmem:v16+s2+$0x0], $0xffff;
	[tilespmem:s3+$0xFFFFFF80] =	vst v13;
	v10 =	vadd.s32 s24, v1  }
0x178: {  	s4 =	simm.s32 $0x10;
	s6 =	simm.s32 $0x17;
	s5 =	simm.s32 $0x18;
	v8 =	vadd.s32 s22, v1;
	v3 =	vld.idx.msk [tilespmem:v14+s2+$0x0], $0xffff;
	[tilespmem:s3+$0x0] =	vst v15  }
.LBB2_17:
0x179: {  	p1 =	slt.u32 s5, $0x38;
	s7 =	sadd.s32 $0x1, s4;
	v13 =	vadd.s32 s6, v1;
	v14 =	vld.idx.msk [tilespmem:v11+s2+$0x0], $0xffff;
	[tilespmem:s3+$0x80] =	vst v6  }
0x17a: {  	s6 =	sadd.s32 $0x2, s4;
	v15 =	vadd.s32 s7, v1;
	v16 =	vld.idx.msk [tilespmem:v12+s2+$0x0], $0xffff;
	[tilespmem:s3+$0x100] =	vst v5  }
0x17b: {  	v17 =	vadd.s32 s6, v1;
	s6 =	sadd.s32 $0x3, s4;
	v6 =	vld.idx.msk [tilespmem:v9+s2+$0x0], $0xffff;
	[tilespmem:s3+$0xFFFFFE00] =	vst v4;
	s3 =	sadd.s32 $0x800, s3  }
.Ltmp7:
0x17c: {  	v11 =	vadd.s32 s6, v1;
	s6 =	sadd.s32 $0x4, s4;
	v5 =	vld.idx.msk [tilespmem:v10+s2+$0x0], $0xffff;
	[tilespmem:s3+$0x180] =	vst v2;
	(pc) =	sbr.rel @p1 .LBB2_17-.Ltmp7, $4  }
0x17d: {  	v12 =	vadd.s32 s6, v1;
	s6 =	sadd.s32 $0x5, s4;
	v4 =	vld.idx.msk [tilespmem:v8+s2+$0x0], $0xffff;
	[tilespmem:s3+$0xFFFFFE80] =	vst v3  }
0x17e: {  	v9 =	vadd.s32 s6, v1;
	s6 =	sadd.s32 $0x6, s4;
	v2 =	vld.idx.msk [tilespmem:v13+s2+$0x0], $0xffff;
	[tilespmem:s3+$0xFFFFFF00] =	vst v7  }
0x17f: {  	v10 =	vadd.s32 s6, v1;
	v3 =	vld.idx.msk [tilespmem:v15+s2+$0x0], $0xffff;
	[tilespmem:s3+$0xFFFFFF80] =	vst v14  }
0x180: {  	v8 =	vadd.s32 s4, v1;
	s4 =	smov.u32 s5;
	s6 =	sadd.s32 $0x7, s5;
	s5 =	sadd.s32 $0x8, s5;
	v7 =	vld.idx.msk [tilespmem:v17+s2+$0x0], $0xffff;
	[tilespmem:s3+$0x0] =	vst v16  }
0x181: {  	_ =	sdelay $0x2  }
0x182: {  	[tilespmem:s3+$0x80] =	vst v6  }
0x183: {  	s5 =	sadd.s32 $0x1, s4;
	v6 =	vadd.s32 s6, v1;
	v11 =	vld.idx.msk [tilespmem:v11+s2+$0x0], $0xffff;
	[tilespmem:s3+$0x100] =	vst v5  }
0x184: {  	s11 =	sadd.s32 $0x2, s4;
	v12 =	vld.idx.msk [tilespmem:v12+s2+$0x0], $0xffff;
	s12 =	sadd.s32 $0x800, s3;
	v5 =	vadd.s32 s5, v1;
	[tilespmem:s3+$0xFFFFFE00] =	vst v4  }
0x185: {  	s13 =	sadd.s32 $0x3, s4;
	v9 =	vld.idx.msk [tilespmem:v9+s2+$0x0], $0xffff;
	v4 =	vadd.s32 s11, v1;
	[tilespmem:s12+$0x180] =	vst v2  }
0x186: {  	s19 =	sadd.s32 $0x4, s4;
	v10 =	vld.idx.msk [tilespmem:v10+s2+$0x0], $0xffff;
	v2 =	vadd.s32 s13, v1;
	[tilespmem:s12+$0xFFFFFE80] =	vst v3  }
0x187: {  	s22 =	sadd.s32 $0x5, s4;
	v8 =	vld.idx.msk [tilespmem:v8+s2+$0x0], $0xffff;
	v3 =	vadd.s32 s19, v1;
	[tilespmem:s12+$0xFFFFFF00] =	vst v7  }
0x188: {  	s24 =	sadd.s32 $0x6, s4;
	v7 =	vadd.s32 s22, v1;
	v6 =	vld.idx.msk [tilespmem:v6+s2+$0x0], $0xffff;
	[tilespmem:s12+$0xFFFFFF80] =	vst v11  }
0x189: {  	v11 =	vadd.s32 s24, v1;
	[tilespmem:s12+$0x0] =	vst v12;
	v5 =	vld.idx.msk [tilespmem:v5+s2+$0x0], $0xffff  }
0x18a: {  	v1 =	vadd.s32 s4, v1;
	[tilespmem:s12+$0x80] =	vst v9;
	v4 =	vld.idx.msk [tilespmem:v4+s2+$0x0], $0xffff  }
0x18b: {  	[tilespmem:s12+$0x100] =	vst v10;
	v2 =	vld.idx.msk [tilespmem:v2+s2+$0x0], $0xffff  }
0x18c: {  	s3 =	sadd.s32 $0x800, s12;
	[tilespmem:s12+$0xFFFFFE00] =	vst v8;
	v3 =	vld.idx.msk [tilespmem:v3+s2+$0x0], $0xffff  }
0x18d: {  	v7 =	vld.idx.msk [tilespmem:v7+s2+$0x0], $0xffff;
	[tilespmem:s3+$0x180] =	vst v6  }
0x18e: {  	v6 =	vld.idx.msk [tilespmem:v11+s2+$0x0], $0xffff;
	[tilespmem:s3+$0xFFFFFE80] =	vst v5  }
0x18f: {  	v1 =	vld.idx.msk [tilespmem:v1+s2+$0x0], $0xffff;
	[tilespmem:s3+$0xFFFFFF00] =	vst v4  }
0x190: {  	[tilespmem:s3+$0xFFFFFF80] =	vst v2  }
0x191: {  	[tilespmem:s3+$0x0] =	vst v3  }
0x192: {  	[tilespmem:s3+$0x80] =	vst v7  }
0x193: {  	[tilespmem:s3+$0x100] =	vst v6  }
0x194: {  	[tilespmem:s3+$0xFFFFFE00] =	vst v1  }
0x195: {  	v1 =	vld [tilespmem:s20+$0x400];
	_ =	sdelay $0x4  }
0x196: {  	v1 =	vmul.u32 $0x41, v1;
	_ =	sdelay $0x1  }
0x197: {  	s6 =	simm.s32 $0x5;
	v1 =	vadd.s32 v0, v1  }
0x198: {  	s7 =	simm.s32 $0x7;
	v2 =	vadd.s32 s6, v1  }
0x199: {  	s9 =	simm.s32 $0x4;
	v3 =	vadd.s32 s7, v1  }
0x19a: {  	s11 =	simm.s32 $0x1;
	v4 =	vadd.s32 s9, v1  }
0x19b: {  	s12 =	simm.s32 $0x2;
	v5 =	vadd.s32 s11, v1  }
0x19c: {  	s13 =	simm.s32 $0x3;
	v6 =	vadd.s32 s12, v1  }
0x19d: {  	s19 =	simm.s32 $0x0;
	v7 =	vadd.s32 s13, v1;
	v2 =	vld.idx.msk [tilespmem:v2+s2+$0x0], $0xffff  }
0x19e: {  	s22 =	simm.s32 $0x6;
	v8 =	vadd.s32 s19, v1;
	v3 =	vld.idx.msk [tilespmem:v3+s2+$0x0], $0xffff  }
0x19f: {  	s24 =	simm.s32 $0xD;
	v9 =	vld.idx.msk [tilespmem:v4+s2+$0x0], $0xffff;
	v4 =	vadd.s32 s22, v1  }
0x1a0: {  	s5 =	simm.s32 $0xF;
	v10 =	vadd.s32 s24, v1;
	v5 =	vld.idx.msk [tilespmem:v5+s2+$0x0], $0xffff  }
0x1a1: {  	s6 =	simm.s32 $0xC;
	v11 =	vadd.s32 s5, v1;
	v13 =	vld.idx.msk [tilespmem:v6+s2+$0x0], $0xffff  }
0x1a2: {  	s7 =	simm.s32 $0x9;
	v14 =	vadd.s32 s6, v1;
	v7 =	vld.idx.msk [tilespmem:v7+s2+$0x0], $0xffff  }
0x1a3: {  	s9 =	simm.s32 $0xA;
	s11 =	sor.u32 $0x380, s18;
	v15 =	vadd.s32 s7, v1;
	v16 =	vld.idx.msk [tilespmem:v8+s2+$0x0], $0xffff;
	[tilespmem:s10+$0x0] =	vst v2  }
0x1a4: {  	s13 =	simm.s32 $0xB;
	v17 =	vadd.s32 s9, v1;
	v6 =	vld.idx.msk [tilespmem:v4+s2+$0x0], $0xffff;
	[tilespmem:s11+$0x13B80] =	vst v3  }
0x1a5: {  	s12 =	simm.s32 $0x8;
	v12 =	vadd.s32 s13, v1;
	v4 =	vld.idx.msk [tilespmem:v10+s2+$0x0], $0xffff;
	[tilespmem:s8+$0x0] =	vst v9  }
0x1a6: {  	s19 =	simm.s32 $0xE;
	v2 =	vld.idx.msk [tilespmem:v11+s2+$0x0], $0xffff;
	[tilespmem:s8+$0xFFFFFE80] =	vst v5;
	v11 =	vadd.s32 s12, v1  }
0x1a7: {  	s4 =	simm.s32 $0x10;
	s3 =	sadd.s32 $0xFFFFFF00, s18;
	s22 =	simm.s32 $0x15;
	v3 =	vld.idx.msk [tilespmem:v14+s2+$0x0], $0xffff;
	[tilespmem:s8+$0xFFFFFF00] =	vst v13;
	v10 =	vadd.s32 s19, v1  }
0x1a8: {  	s24 =	simm.s32 $0x17;
	s5 =	simm.s32 $0x18;
	s7 =	sor.u32 $0x300, s3;
	v5 =	vld.idx.msk [tilespmem:v15+s2+$0x0], $0xffff;
	[tilespmem:s8+$0xFFFFFF80] =	vst v7;
	v9 =	vadd.s32 s22, v1  }
0x1a9: {  	s6 =	sadd.s32 $0x800, s10;
	s9 =	smov.u32 s18;
	v8 =	vadd.s32 s24, v1;
	s11 =	simm.s32 $0x14;
	v7 =	vld.idx.msk [tilespmem:v17+s2+$0x0], $0xffff;
	[tilespmem:s8+$0xFFFFFE00] =	vst v16  }
.LBB2_19:
0x1aa: {  	p1 =	slt.u32 s5, $0x38;
	s10 =	sadd.s32 $0x1, s4;
	v13 =	vadd.s32 s11, v1;
	v14 =	vld.idx.msk [tilespmem:v12+s2+$0x0], $0xffff;
	[tilespmem:s7+$0x13B80] =	vst v6;
	s9 =	sadd.s32 $0x800, s9  }
0x1ab: {  	s7 =	sadd.s32 $0x2, s4;
	v15 =	vadd.s32 s10, v1;
	v16 =	vld.idx.msk [tilespmem:v11+s2+$0x0], $0xffff;
	[tilespmem:s6+$0x0] =	vst v4;
	s10 =	sadd.s32 $0xFFFFFF00, s9;
	s11 =	sor.u32 $0x380, s9  }
0x1ac: {  	s12 =	sadd.s32 $0x3, s4;
	s8 =	sadd.s32 $0x800, s8;
	v17 =	vadd.s32 s7, v1;
	v6 =	vld.idx.msk [tilespmem:v10+s2+$0x0], $0xffff;
	s7 =	sor.u32 $0x300, s10;
	[tilespmem:s11+$0x13B80] =	vst v2  }
.Ltmp8:
0x1ad: {  	v12 =	vadd.s32 s12, v1;
	v4 =	vld.idx.msk [tilespmem:v9+s2+$0x0], $0xffff;
	[tilespmem:s8+$0x0] =	vst v3;
	(pc) =	sbr.rel @p1 .LBB2_19-.Ltmp8, $4  }
0x1ae: {  	v11 =	vadd.s32 s4, v1;
	s10 =	sadd.s32 $0x6, s4;
	s4 =	smov.u32 s5;
	v2 =	vld.idx.msk [tilespmem:v8+s2+$0x0], $0xffff;
	[tilespmem:s8+$0xFFFFFE80] =	vst v5  }
0x1af: {  	s11 =	sadd.s32 $0x5, s5;
	v10 =	vadd.s32 s10, v1;
	v3 =	vld.idx.msk [tilespmem:v13+s2+$0x0], $0xffff;
	[tilespmem:s8+$0xFFFFFF00] =	vst v7  }
0x1b0: {  	v9 =	vadd.s32 s11, v1;
	s10 =	sadd.s32 $0x7, s5;
	v5 =	vld.idx.msk [tilespmem:v15+s2+$0x0], $0xffff;
	[tilespmem:s8+$0xFFFFFF80] =	vst v14  }
0x1b1: {  	s6 =	sadd.s32 $0x800, s6;
	s11 =	sadd.s32 $0x4, s4;
	s5 =	sadd.s32 $0x8, s5;
	v8 =	vadd.s32 s10, v1;
	v7 =	vld.idx.msk [tilespmem:v17+s2+$0x0], $0xffff;
	[tilespmem:s8+$0xFFFFFE00] =	vst v16  }
0x1b2: {  	_ =	sdelay $0x2  }
0x1b3: {  	[tilespmem:s7+$0x13B80] =	vst v6;
	s5 =	sadd.s32 $0x800, s9  }
0x1b4: {  	s10 =	sadd.s32 $0x1, s4;
	v6 =	vadd.s32 s11, v1;
	v12 =	vld.idx.msk [tilespmem:v12+s2+$0x0], $0xffff;
	[tilespmem:s6+$0x0] =	vst v4;
	s9 =	sor.u32 $0x380, s5  }
0x1b5: {  	s11 =	sadd.s32 $0x2, s4;
	v11 =	vld.idx.msk [tilespmem:v11+s2+$0x0], $0xffff;
	s8 =	sadd.s32 $0x800, s8;
	v4 =	vadd.s32 s10, v1;
	[tilespmem:s9+$0x13B80] =	vst v2  }
0x1b6: {  	s12 =	sadd.s32 $0x3, s4;
	v10 =	vld.idx.msk [tilespmem:v10+s2+$0x0], $0xffff;
	v2 =	vadd.s32 s11, v1;
	[tilespmem:s8+$0x0] =	vst v3  }
0x1b7: {  	v9 =	vld.idx.msk [tilespmem:v9+s2+$0x0], $0xffff;
	v3 =	vadd.s32 s12, v1;
	[tilespmem:s8+$0xFFFFFE80] =	vst v5  }
0x1b8: {  	s13 =	sadd.s32 $0x6, s4;
	v8 =	vld.idx.msk [tilespmem:v8+s2+$0x0], $0xffff;
	v5 =	vadd.s32 s4, v1;
	[tilespmem:s8+$0xFFFFFF00] =	vst v7  }
0x1b9: {  	s19 =	sadd.s32 $0xFFFFFF00, s5;
	v1 =	vadd.s32 s13, v1;
	v6 =	vld.idx.msk [tilespmem:v6+s2+$0x0], $0xffff;
	[tilespmem:s8+$0xFFFFFF80] =	vst v12  }
0x1ba: {  	s22 =	sor.u32 $0x300, s19;
	[tilespmem:s8+$0xFFFFFE00] =	vst v11;
	v4 =	vld.idx.msk [tilespmem:v4+s2+$0x0], $0xffff  }
0x1bb: {  	s24 =	sadd.s32 $0x800, s6;
	s7 =	sadd.s32 $0x800, s5;
	[tilespmem:s22+$0x13B80] =	vst v10;
	v2 =	vld.idx.msk [tilespmem:v2+s2+$0x0], $0xffff  }
0x1bc: {  	s5 =	sor.u32 $0x380, s7;
	[tilespmem:s24+$0x0] =	vst v9;
	v3 =	vld.idx.msk [tilespmem:v3+s2+$0x0], $0xffff  }
0x1bd: {  	s9 =	sadd.s32 $0x800, s8;
	[tilespmem:s5+$0x13B80] =	vst v8;
	v5 =	vld.idx.msk [tilespmem:v5+s2+$0x0], $0xffff  }
0x1be: {  	v1 =	vld.idx.msk [tilespmem:v1+s2+$0x0], $0xffff;
	[tilespmem:s9+$0x0] =	vst v6  }
0x1bf: {  	[tilespmem:s9+$0xFFFFFE80] =	vst v4  }
0x1c0: {  	[tilespmem:s9+$0xFFFFFF00] =	vst v2  }
0x1c1: {  	s4 =	sadd.s32 $0xFFFFFF00, s7;
	[tilespmem:s9+$0xFFFFFF80] =	vst v3  }
0x1c2: {  	s4 =	sor.u32 $0x300, s4;
	[tilespmem:s9+$0xFFFFFE00] =	vst v5  }
0x1c3: {  	[tilespmem:s4+$0x13B80] =	vst v1  }
0x1c4: {  	v1 =	vld [tilespmem:s20+$0x410];
	_ =	sdelay $0x4  }
0x1c5: {  	v1 =	vmul.u32 $0x41, v1;
	_ =	sdelay $0x1  }
0x1c6: {  	s10 =	simm.s32 $0x5;
	v1 =	vadd.s32 v0, v1  }
0x1c7: {  	s11 =	simm.s32 $0x7;
	v2 =	vadd.s32 s10, v1  }
0x1c8: {  	s12 =	simm.s32 $0x4;
	v3 =	vadd.s32 s11, v1  }
0x1c9: {  	s13 =	simm.s32 $0x1;
	v4 =	vadd.s32 s12, v1  }
0x1ca: {  	s19 =	simm.s32 $0x2;
	v5 =	vadd.s32 s13, v1  }
0x1cb: {  	s22 =	simm.s32 $0x3;
	v6 =	vadd.s32 s19, v1  }
0x1cc: {  	s24 =	simm.s32 $0x0;
	v7 =	vadd.s32 s22, v1;
	v2 =	vld.idx.msk [tilespmem:v2+s2+$0x0], $0xffff  }
0x1cd: {  	s5 =	simm.s32 $0x6;
	v8 =	vadd.s32 s24, v1;
	v3 =	vld.idx.msk [tilespmem:v3+s2+$0x0], $0xffff  }
0x1ce: {  	s6 =	simm.s32 $0xD;
	v9 =	vld.idx.msk [tilespmem:v4+s2+$0x0], $0xffff;
	v4 =	vadd.s32 s5, v1  }
0x1cf: {  	s7 =	simm.s32 $0xF;
	v10 =	vadd.s32 s6, v1;
	v5 =	vld.idx.msk [tilespmem:v5+s2+$0x0], $0xffff  }
0x1d0: {  	s8 =	simm.s32 $0xC;
	v11 =	vadd.s32 s7, v1;
	v13 =	vld.idx.msk [tilespmem:v6+s2+$0x0], $0xffff  }
0x1d1: {  	s9 =	simm.s32 $0x9;
	v14 =	vadd.s32 s8, v1;
	v7 =	vld.idx.msk [tilespmem:v7+s2+$0x0], $0xffff  }
0x1d2: {  	v15 =	vadd.s32 s9, v1;
	s10 =	simm.s32 $0xA;
	s11 =	sor.u32 $0x390, s18;
	v16 =	vld.idx.msk [tilespmem:v8+s2+$0x0], $0xffff;
	[tilespmem:s1+$0x0] =	vst v2  }
0x1d3: {  	s12 =	simm.s32 $0xB;
	v17 =	vadd.s32 s10, v1;
	v6 =	vld.idx.msk [tilespmem:v4+s2+$0x0], $0xffff;
	[tilespmem:s11+$0x13B80] =	vst v3  }
0x1d4: {  	s13 =	simm.s32 $0x8;
	v12 =	vadd.s32 s12, v1;
	v4 =	vld.idx.msk [tilespmem:v10+s2+$0x0], $0xffff;
	[tilespmem:s0+$0x0] =	vst v9  }
0x1d5: {  	s19 =	simm.s32 $0xE;
	v2 =	vld.idx.msk [tilespmem:v11+s2+$0x0], $0xffff;
	[tilespmem:s0+$0xFFFFFE80] =	vst v5;
	v11 =	vadd.s32 s13, v1  }
0x1d6: {  	s4 =	simm.s32 $0x10;
	s22 =	simm.s32 $0x15;
	v3 =	vld.idx.msk [tilespmem:v14+s2+$0x0], $0xffff;
	[tilespmem:s0+$0xFFFFFF00] =	vst v13;
	v10 =	vadd.s32 s19, v1  }
0x1d7: {  	s6 =	sor.u32 $0x310, s3;
	s24 =	simm.s32 $0x17;
	s8 =	simm.s32 $0x14;
	v5 =	vld.idx.msk [tilespmem:v15+s2+$0x0], $0xffff;
	[tilespmem:s0+$0xFFFFFF80] =	vst v7;
	v9 =	vadd.s32 s22, v1  }
0x1d8: {  	s7 =	smov.u32 s18;
	v8 =	vadd.s32 s24, v1;
	s5 =	simm.s32 $0x18;
	v7 =	vld.idx.msk [tilespmem:v17+s2+$0x0], $0xffff;
	[tilespmem:s0+$0xFFFFFE00] =	vst v16;
	s1 =	sadd.s32 $0x800, s1  }
.LBB2_21:
0x1d9: {  	p1 =	slt.u32 s5, $0x38;
	s9 =	sadd.s32 $0x1, s4;
	v13 =	vadd.s32 s8, v1;
	v14 =	vld.idx.msk [tilespmem:v12+s2+$0x0], $0xffff;
	[tilespmem:s6+$0x13B80] =	vst v6;
	s7 =	sadd.s32 $0x800, s7  }
0x1da: {  	s6 =	sadd.s32 $0x2, s4;
	v15 =	vadd.s32 s9, v1;
	v16 =	vld.idx.msk [tilespmem:v11+s2+$0x0], $0xffff;
	[tilespmem:s1+$0x0] =	vst v4;
	s8 =	sadd.s32 $0xFFFFFF00, s7;
	s9 =	sor.u32 $0x390, s7  }
0x1db: {  	s10 =	sadd.s32 $0x3, s4;
	s0 =	sadd.s32 $0x800, s0;
	v17 =	vadd.s32 s6, v1;
	v6 =	vld.idx.msk [tilespmem:v10+s2+$0x0], $0xffff;
	s6 =	sor.u32 $0x310, s8;
	[tilespmem:s9+$0x13B80] =	vst v2  }
.Ltmp9:
0x1dc: {  	v12 =	vadd.s32 s10, v1;
	v4 =	vld.idx.msk [tilespmem:v9+s2+$0x0], $0xffff;
	[tilespmem:s0+$0x0] =	vst v3;
	(pc) =	sbr.rel @p1 .LBB2_21-.Ltmp9, $4  }
0x1dd: {  	v11 =	vadd.s32 s4, v1;
	s8 =	sadd.s32 $0x6, s4;
	s4 =	smov.u32 s5;
	v2 =	vld.idx.msk [tilespmem:v8+s2+$0x0], $0xffff;
	[tilespmem:s0+$0xFFFFFE80] =	vst v5  }
0x1de: {  	s9 =	sadd.s32 $0x5, s5;
	v10 =	vadd.s32 s8, v1;
	v3 =	vld.idx.msk [tilespmem:v13+s2+$0x0], $0xffff;
	[tilespmem:s0+$0xFFFFFF00] =	vst v7  }
0x1df: {  	v9 =	vadd.s32 s9, v1;
	s9 =	sadd.s32 $0x7, s5;
	v5 =	vld.idx.msk [tilespmem:v15+s2+$0x0], $0xffff;
	[tilespmem:s0+$0xFFFFFF80] =	vst v14  }
0x1e0: {  	s1 =	sadd.s32 $0x800, s1;
	s8 =	sadd.s32 $0x4, s4;
	s5 =	sadd.s32 $0x8, s5;
	v8 =	vadd.s32 s9, v1;
	v7 =	vld.idx.msk [tilespmem:v17+s2+$0x0], $0xffff;
	[tilespmem:s0+$0xFFFFFE00] =	vst v16  }
0x1e1: {  	_ =	sdelay $0x2  }
0x1e2: {  	[tilespmem:s6+$0x13B80] =	vst v6;
	s5 =	sadd.s32 $0x800, s7  }
0x1e3: {  	s12 =	sadd.s32 $0x1, s4;
	v6 =	vadd.s32 s8, v1;
	v12 =	vld.idx.msk [tilespmem:v12+s2+$0x0], $0xffff;
	[tilespmem:s1+$0x0] =	vst v4;
	s7 =	sor.u32 $0x390, s5  }
0x1e4: {  	s13 =	sadd.s32 $0x2, s4;
	v11 =	vld.idx.msk [tilespmem:v11+s2+$0x0], $0xffff;
	s0 =	sadd.s32 $0x800, s0;
	v4 =	vadd.s32 s12, v1;
	[tilespmem:s7+$0x13B80] =	vst v2  }
0x1e5: {  	s19 =	sadd.s32 $0x3, s4;
	v10 =	vld.idx.msk [tilespmem:v10+s2+$0x0], $0xffff;
	v2 =	vadd.s32 s13, v1;
	[tilespmem:s0+$0x0] =	vst v3  }
0x1e6: {  	v9 =	vld.idx.msk [tilespmem:v9+s2+$0x0], $0xffff;
	v3 =	vadd.s32 s19, v1;
	[tilespmem:s0+$0xFFFFFE80] =	vst v5  }
0x1e7: {  	s22 =	sadd.s32 $0x6, s4;
	v8 =	vld.idx.msk [tilespmem:v8+s2+$0x0], $0xffff;
	v5 =	vadd.s32 s4, v1;
	[tilespmem:s0+$0xFFFFFF00] =	vst v7  }
0x1e8: {  	s24 =	sadd.s32 $0xFFFFFF00, s5;
	v1 =	vadd.s32 s22, v1;
	v6 =	vld.idx.msk [tilespmem:v6+s2+$0x0], $0xffff;
	[tilespmem:s0+$0xFFFFFF80] =	vst v12  }
0x1e9: {  	s7 =	sor.u32 $0x310, s24;
	[tilespmem:s0+$0xFFFFFE00] =	vst v11;
	v4 =	vld.idx.msk [tilespmem:v4+s2+$0x0], $0xffff  }
0x1ea: {  	s8 =	sadd.s32 $0x800, s1;
	s9 =	sadd.s32 $0x800, s5;
	[tilespmem:s7+$0x13B80] =	vst v10;
	v2 =	vld.idx.msk [tilespmem:v2+s2+$0x0], $0xffff  }
0x1eb: {  	s10 =	sor.u32 $0x390, s9;
	[tilespmem:s8+$0x0] =	vst v9;
	v3 =	vld.idx.msk [tilespmem:v3+s2+$0x0], $0xffff  }
0x1ec: {  	[tilespmem:s10+$0x13B80] =	vst v8;
	s0 =	sadd.s32 $0x800, s0;
	v5 =	vld.idx.msk [tilespmem:v5+s2+$0x0], $0xffff  }
0x1ed: {  	v1 =	vld.idx.msk [tilespmem:v1+s2+$0x0], $0xffff;
	[tilespmem:s0+$0x0] =	vst v6  }
0x1ee: {  	[tilespmem:s0+$0xFFFFFE80] =	vst v4  }
0x1ef: {  	[tilespmem:s0+$0xFFFFFF00] =	vst v2  }
0x1f0: {  	s11 =	sadd.s32 $0xFFFFFF00, s9;
	[tilespmem:s0+$0xFFFFFF80] =	vst v3  }
0x1f1: {  	s1 =	sor.u32 $0x310, s11;
	[tilespmem:s0+$0xFFFFFE00] =	vst v5  }
0x1f2: {  	[tilespmem:s1+$0x13B80] =	vst v1  }
0x1f3: {  	v1 =	vld [tilespmem:s20+$0x420];
	_ =	sdelay $0x4  }
0x1f4: {  	v1 =	vmul.u32 $0x41, v1;
	_ =	sdelay $0x1  }
0x1f5: {  	s12 =	simm.s32 $0x5;
	v1 =	vadd.s32 v0, v1  }
0x1f6: {  	s13 =	simm.s32 $0x7;
	v2 =	vadd.s32 s12, v1  }
0x1f7: {  	s19 =	simm.s32 $0x4;
	v3 =	vadd.s32 s13, v1  }
0x1f8: {  	s22 =	simm.s32 $0x1;
	v4 =	vadd.s32 s19, v1  }
0x1f9: {  	s24 =	simm.s32 $0x2;
	v5 =	vadd.s32 s22, v1  }
0x1fa: {  	s1 =	simm.s32 $0x3;
	v6 =	vadd.s32 s24, v1  }
0x1fb: {  	s4 =	simm.s32 $0x0;
	v7 =	vadd.s32 s1, v1;
	v2 =	vld.idx.msk [tilespmem:v2+s2+$0x0], $0xffff  }
0x1fc: {  	s5 =	simm.s32 $0x6;
	v8 =	vadd.s32 s4, v1;
	v3 =	vld.idx.msk [tilespmem:v3+s2+$0x0], $0xffff  }
0x1fd: {  	s6 =	simm.s32 $0xD;
	v9 =	vld.idx.msk [tilespmem:v4+s2+$0x0], $0xffff;
	v4 =	vadd.s32 s5, v1  }
0x1fe: {  	s7 =	simm.s32 $0xF;
	v10 =	vadd.s32 s6, v1;
	v5 =	vld.idx.msk [tilespmem:v5+s2+$0x0], $0xffff  }
0x1ff: {  	s8 =	simm.s32 $0xC;
	v11 =	vadd.s32 s7, v1;
	v13 =	vld.idx.msk [tilespmem:v6+s2+$0x0], $0xffff  }
0x200: {  	s9 =	simm.s32 $0x9;
	v14 =	vadd.s32 s8, v1;
	v7 =	vld.idx.msk [tilespmem:v7+s2+$0x0], $0xffff  }
0x201: {  	s11 =	sor.u32 $0x3A0, s18;
	s10 =	simm.s32 $0xA;
	v15 =	vadd.s32 s9, v1;
	v16 =	vld.idx.msk [tilespmem:v8+s2+$0x0], $0xffff;
	[tilespmem:s31+$0x0] =	vst v2  }
0x202: {  	v17 =	vadd.s32 s10, v1;
	s12 =	simm.s32 $0xB;
	v6 =	vld.idx.msk [tilespmem:v4+s2+$0x0], $0xffff;
	[tilespmem:s11+$0x13B80] =	vst v3  }
0x203: {  	s13 =	simm.s32 $0x8;
	v12 =	vadd.s32 s12, v1;
	v4 =	vld.idx.msk [tilespmem:v10+s2+$0x0], $0xffff;
	[tilespmem:s30+$0x0] =	vst v9  }
0x204: {  	s19 =	simm.s32 $0xE;
	v2 =	vld.idx.msk [tilespmem:v11+s2+$0x0], $0xffff;
	[tilespmem:s30+$0xFFFFFE80] =	vst v5;
	v11 =	vadd.s32 s13, v1  }
0x205: {  	s0 =	simm.s32 $0x10;
	s22 =	simm.s32 $0x15;
	v3 =	vld.idx.msk [tilespmem:v14+s2+$0x0], $0xffff;
	[tilespmem:s30+$0xFFFFFF00] =	vst v13;
	v10 =	vadd.s32 s19, v1  }
0x206: {  	s24 =	simm.s32 $0x17;
	s7 =	simm.s32 $0x14;
	s4 =	simm.s32 $0x18;
	v5 =	vld.idx.msk [tilespmem:v15+s2+$0x0], $0xffff;
	[tilespmem:s30+$0xFFFFFF80] =	vst v7;
	v9 =	vadd.s32 s22, v1  }
0x207: {  	s1 =	sadd.s32 $0x800, s31;
	s6 =	smov.u32 s18;
	s5 =	sor.u32 $0x320, s3;
	v8 =	vadd.s32 s24, v1;
	v7 =	vld.idx.msk [tilespmem:v17+s2+$0x0], $0xffff;
	[tilespmem:s30+$0xFFFFFE00] =	vst v16  }
.LBB2_23:
0x208: {  	p1 =	slt.u32 s4, $0x38;
	s8 =	sadd.s32 $0x1, s0;
	v13 =	vadd.s32 s7, v1;
	v14 =	vld.idx.msk [tilespmem:v12+s2+$0x0], $0xffff;
	[tilespmem:s5+$0x13B80] =	vst v6;
	s6 =	sadd.s32 $0x800, s6  }
0x209: {  	s5 =	sadd.s32 $0x2, s0;
	v15 =	vadd.s32 s8, v1;
	v16 =	vld.idx.msk [tilespmem:v11+s2+$0x0], $0xffff;
	[tilespmem:s1+$0x0] =	vst v4;
	s7 =	sadd.s32 $0xFFFFFF00, s6;
	s8 =	sor.u32 $0x3A0, s6  }
0x20a: {  	s9 =	sadd.s32 $0x3, s0;
	s30 =	sadd.s32 $0x800, s30;
	v17 =	vadd.s32 s5, v1;
	v6 =	vld.idx.msk [tilespmem:v10+s2+$0x0], $0xffff;
	s5 =	sor.u32 $0x320, s7;
	[tilespmem:s8+$0x13B80] =	vst v2  }
.Ltmp10:
0x20b: {  	v12 =	vadd.s32 s9, v1;
	v4 =	vld.idx.msk [tilespmem:v9+s2+$0x0], $0xffff;
	[tilespmem:s30+$0x0] =	vst v3;
	(pc) =	sbr.rel @p1 .LBB2_23-.Ltmp10, $4  }
0x20c: {  	v11 =	vadd.s32 s0, v1;
	s7 =	sadd.s32 $0x6, s0;
	s0 =	smov.u32 s4;
	v2 =	vld.idx.msk [tilespmem:v8+s2+$0x0], $0xffff;
	[tilespmem:s30+$0xFFFFFE80] =	vst v5  }
0x20d: {  	s8 =	sadd.s32 $0x5, s4;
	v10 =	vadd.s32 s7, v1;
	v3 =	vld.idx.msk [tilespmem:v13+s2+$0x0], $0xffff;
	[tilespmem:s30+$0xFFFFFF00] =	vst v7  }
0x20e: {  	v9 =	vadd.s32 s8, v1;
	s8 =	sadd.s32 $0x7, s4;
	v5 =	vld.idx.msk [tilespmem:v15+s2+$0x0], $0xffff;
	[tilespmem:s30+$0xFFFFFF80] =	vst v14  }
0x20f: {  	s1 =	sadd.s32 $0x800, s1;
	s7 =	sadd.s32 $0x4, s0;
	s4 =	sadd.s32 $0x8, s4;
	v8 =	vadd.s32 s8, v1;
	v7 =	vld.idx.msk [tilespmem:v17+s2+$0x0], $0xffff;
	[tilespmem:s30+$0xFFFFFE00] =	vst v16  }
0x210: {  	_ =	sdelay $0x2  }
0x211: {  	[tilespmem:s5+$0x13B80] =	vst v6;
	s4 =	sadd.s32 $0x800, s6  }
0x212: {  	s22 =	sadd.s32 $0x1, s0;
	v6 =	vadd.s32 s7, v1;
	v12 =	vld.idx.msk [tilespmem:v12+s2+$0x0], $0xffff;
	[tilespmem:s1+$0x0] =	vst v4;
	s6 =	sor.u32 $0x3A0, s4  }
0x213: {  	s24 =	sadd.s32 $0x2, s0;
	v11 =	vld.idx.msk [tilespmem:v11+s2+$0x0], $0xffff;
	s31 =	sadd.s32 $0x800, s30;
	v4 =	vadd.s32 s22, v1;
	[tilespmem:s6+$0x13B80] =	vst v2  }
0x214: {  	s7 =	sadd.s32 $0x3, s0;
	v10 =	vld.idx.msk [tilespmem:v10+s2+$0x0], $0xffff;
	v2 =	vadd.s32 s24, v1;
	[tilespmem:s31+$0x0] =	vst v3  }
0x215: {  	v9 =	vld.idx.msk [tilespmem:v9+s2+$0x0], $0xffff;
	v3 =	vadd.s32 s7, v1;
	[tilespmem:s31+$0xFFFFFE80] =	vst v5  }
0x216: {  	s8 =	sadd.s32 $0x6, s0;
	v8 =	vld.idx.msk [tilespmem:v8+s2+$0x0], $0xffff;
	v5 =	vadd.s32 s0, v1;
	[tilespmem:s31+$0xFFFFFF00] =	vst v7  }
0x217: {  	s9 =	sadd.s32 $0xFFFFFF00, s4;
	v1 =	vadd.s32 s8, v1;
	v6 =	vld.idx.msk [tilespmem:v6+s2+$0x0], $0xffff;
	[tilespmem:s31+$0xFFFFFF80] =	vst v12  }
0x218: {  	s10 =	sor.u32 $0x320, s9;
	[tilespmem:s31+$0xFFFFFE00] =	vst v11;
	v4 =	vld.idx.msk [tilespmem:v4+s2+$0x0], $0xffff  }
0x219: {  	s11 =	sadd.s32 $0x800, s1;
	s12 =	sadd.s32 $0x800, s4;
	[tilespmem:s10+$0x13B80] =	vst v10;
	v2 =	vld.idx.msk [tilespmem:v2+s2+$0x0], $0xffff  }
0x21a: {  	s13 =	sor.u32 $0x3A0, s12;
	[tilespmem:s11+$0x0] =	vst v9;
	v3 =	vld.idx.msk [tilespmem:v3+s2+$0x0], $0xffff  }
0x21b: {  	s19 =	sadd.s32 $0x800, s31;
	[tilespmem:s13+$0x13B80] =	vst v8;
	v5 =	vld.idx.msk [tilespmem:v5+s2+$0x0], $0xffff  }
0x21c: {  	v1 =	vld.idx.msk [tilespmem:v1+s2+$0x0], $0xffff;
	[tilespmem:s19+$0x0] =	vst v6  }
0x21d: {  	[tilespmem:s19+$0xFFFFFE80] =	vst v4  }
0x21e: {  	[tilespmem:s19+$0xFFFFFF00] =	vst v2  }
0x21f: {  	s0 =	sadd.s32 $0xFFFFFF00, s12;
	[tilespmem:s19+$0xFFFFFF80] =	vst v3  }
0x220: {  	s0 =	sor.u32 $0x320, s0;
	[tilespmem:s19+$0xFFFFFE00] =	vst v5  }
0x221: {  	[tilespmem:s0+$0x13B80] =	vst v1  }
0x222: {  	v1 =	vld [tilespmem:s20+$0x430];
	_ =	sdelay $0x4  }
0x223: {  	v1 =	vmul.u32 $0x41, v1;
	_ =	sdelay $0x1  }
0x224: {  	s22 =	simm.s32 $0x5;
	v1 =	vadd.s32 v0, v1  }
0x225: {  	s24 =	simm.s32 $0x7;
	v2 =	vadd.s32 s22, v1  }
0x226: {  	s30 =	simm.s32 $0x4;
	v3 =	vadd.s32 s24, v1  }
0x227: {  	s31 =	simm.s32 $0x1;
	v4 =	vadd.s32 s30, v1  }
0x228: {  	s4 =	simm.s32 $0x2;
	v5 =	vadd.s32 s31, v1  }
0x229: {  	s5 =	simm.s32 $0x3;
	v6 =	vadd.s32 s4, v1  }
0x22a: {  	s6 =	simm.s32 $0x0;
	v7 =	vadd.s32 s5, v1;
	v2 =	vld.idx.msk [tilespmem:v2+s2+$0x0], $0xffff  }
0x22b: {  	s7 =	simm.s32 $0x6;
	v8 =	vadd.s32 s6, v1;
	v3 =	vld.idx.msk [tilespmem:v3+s2+$0x0], $0xffff  }
0x22c: {  	s8 =	simm.s32 $0xD;
	v9 =	vld.idx.msk [tilespmem:v4+s2+$0x0], $0xffff;
	v4 =	vadd.s32 s7, v1  }
0x22d: {  	s9 =	simm.s32 $0xF;
	v10 =	vadd.s32 s8, v1;
	v5 =	vld.idx.msk [tilespmem:v5+s2+$0x0], $0xffff  }
0x22e: {  	s10 =	simm.s32 $0xC;
	v11 =	vadd.s32 s9, v1;
	v13 =	vld.idx.msk [tilespmem:v6+s2+$0x0], $0xffff  }
0x22f: {  	s11 =	simm.s32 $0x9;
	v14 =	vadd.s32 s10, v1;
	v7 =	vld.idx.msk [tilespmem:v7+s2+$0x0], $0xffff  }
0x230: {  	s12 =	simm.s32 $0xA;
	s13 =	sor.u32 $0x3B0, s18;
	v15 =	vadd.s32 s11, v1;
	v16 =	vld.idx.msk [tilespmem:v8+s2+$0x0], $0xffff;
	[tilespmem:s29+$0x0] =	vst v2  }
0x231: {  	s19 =	simm.s32 $0xB;
	v17 =	vadd.s32 s12, v1;
	v6 =	vld.idx.msk [tilespmem:v4+s2+$0x0], $0xffff;
	[tilespmem:s13+$0x13B80] =	vst v3  }
0x232: {  	s22 =	simm.s32 $0x8;
	v12 =	vadd.s32 s19, v1;
	v4 =	vld.idx.msk [tilespmem:v10+s2+$0x0], $0xffff;
	[tilespmem:s28+$0x0] =	vst v9  }
0x233: {  	s24 =	simm.s32 $0xE;
	v2 =	vld.idx.msk [tilespmem:v11+s2+$0x0], $0xffff;
	[tilespmem:s28+$0xFFFFFE80] =	vst v5;
	v11 =	vadd.s32 s22, v1  }
0x234: {  	s1 =	sadd.s32 $0x800, s29;
	s30 =	simm.s32 $0x15;
	v3 =	vld.idx.msk [tilespmem:v14+s2+$0x0], $0xffff;
	[tilespmem:s28+$0xFFFFFF00] =	vst v13;
	v10 =	vadd.s32 s24, v1  }
0x235: {  	s0 =	simm.s32 $0x10;
	s5 =	sor.u32 $0x330, s3;
	s31 =	simm.s32 $0x17;
	v5 =	vld.idx.msk [tilespmem:v15+s2+$0x0], $0xffff;
	[tilespmem:s28+$0xFFFFFF80] =	vst v7;
	v9 =	vadd.s32 s30, v1  }
0x236: {  	s4 =	simm.s32 $0x18;
	s6 =	smov.u32 s18;
	s7 =	simm.s32 $0x14;
	v8 =	vadd.s32 s31, v1;
	v7 =	vld.idx.msk [tilespmem:v17+s2+$0x0], $0xffff;
	[tilespmem:s28+$0xFFFFFE00] =	vst v16  }
.LBB2_25:
0x237: {  	p1 =	slt.u32 s4, $0x38;
	s8 =	sadd.s32 $0x1, s0;
	v13 =	vadd.s32 s7, v1;
	v14 =	vld.idx.msk [tilespmem:v12+s2+$0x0], $0xffff;
	[tilespmem:s5+$0x13B80] =	vst v6;
	s6 =	sadd.s32 $0x800, s6  }
0x238: {  	s5 =	sadd.s32 $0x2, s0;
	v15 =	vadd.s32 s8, v1;
	v16 =	vld.idx.msk [tilespmem:v11+s2+$0x0], $0xffff;
	[tilespmem:s1+$0x0] =	vst v4;
	s7 =	sadd.s32 $0xFFFFFF00, s6;
	s8 =	sor.u32 $0x3B0, s6  }
0x239: {  	s9 =	sadd.s32 $0x3, s0;
	s28 =	sadd.s32 $0x800, s28;
	v17 =	vadd.s32 s5, v1;
	v6 =	vld.idx.msk [tilespmem:v10+s2+$0x0], $0xffff;
	s5 =	sor.u32 $0x330, s7;
	[tilespmem:s8+$0x13B80] =	vst v2  }
.Ltmp11:
0x23a: {  	v12 =	vadd.s32 s9, v1;
	v4 =	vld.idx.msk [tilespmem:v9+s2+$0x0], $0xffff;
	[tilespmem:s28+$0x0] =	vst v3;
	(pc) =	sbr.rel @p1 .LBB2_25-.Ltmp11, $4  }
0x23b: {  	v11 =	vadd.s32 s0, v1;
	s7 =	sadd.s32 $0x6, s0;
	s0 =	smov.u32 s4;
	v2 =	vld.idx.msk [tilespmem:v8+s2+$0x0], $0xffff;
	[tilespmem:s28+$0xFFFFFE80] =	vst v5  }
0x23c: {  	s8 =	sadd.s32 $0x5, s4;
	v10 =	vadd.s32 s7, v1;
	v3 =	vld.idx.msk [tilespmem:v13+s2+$0x0], $0xffff;
	[tilespmem:s28+$0xFFFFFF00] =	vst v7  }
0x23d: {  	v9 =	vadd.s32 s8, v1;
	s8 =	sadd.s32 $0x7, s4;
	v5 =	vld.idx.msk [tilespmem:v15+s2+$0x0], $0xffff;
	[tilespmem:s28+$0xFFFFFF80] =	vst v14  }
0x23e: {  	s1 =	sadd.s32 $0x800, s1;
	s7 =	sadd.s32 $0x4, s0;
	s4 =	sadd.s32 $0x8, s4;
	v8 =	vadd.s32 s8, v1;
	v7 =	vld.idx.msk [tilespmem:v17+s2+$0x0], $0xffff;
	[tilespmem:s28+$0xFFFFFE00] =	vst v16  }
0x23f: {  	_ =	sdelay $0x2  }
0x240: {  	[tilespmem:s5+$0x13B80] =	vst v6;
	s4 =	sadd.s32 $0x800, s6  }
0x241: {  	s9 =	sadd.s32 $0x1, s0;
	v6 =	vadd.s32 s7, v1;
	v12 =	vld.idx.msk [tilespmem:v12+s2+$0x0], $0xffff;
	[tilespmem:s1+$0x0] =	vst v4;
	s6 =	sor.u32 $0x3B0, s4  }
0x242: {  	s10 =	sadd.s32 $0x2, s0;
	v11 =	vld.idx.msk [tilespmem:v11+s2+$0x0], $0xffff;
	s11 =	sadd.s32 $0x800, s28;
	v4 =	vadd.s32 s9, v1;
	[tilespmem:s6+$0x13B80] =	vst v2  }
0x243: {  	s12 =	sadd.s32 $0x3, s0;
	v10 =	vld.idx.msk [tilespmem:v10+s2+$0x0], $0xffff;
	v2 =	vadd.s32 s10, v1;
	[tilespmem:s11+$0x0] =	vst v3  }
0x244: {  	v9 =	vld.idx.msk [tilespmem:v9+s2+$0x0], $0xffff;
	v3 =	vadd.s32 s12, v1;
	[tilespmem:s11+$0xFFFFFE80] =	vst v5  }
0x245: {  	s13 =	sadd.s32 $0x6, s0;
	v8 =	vld.idx.msk [tilespmem:v8+s2+$0x0], $0xffff;
	v5 =	vadd.s32 s0, v1;
	[tilespmem:s11+$0xFFFFFF00] =	vst v7  }
0x246: {  	s19 =	sadd.s32 $0xFFFFFF00, s4;
	v1 =	vadd.s32 s13, v1;
	v6 =	vld.idx.msk [tilespmem:v6+s2+$0x0], $0xffff;
	[tilespmem:s11+$0xFFFFFF80] =	vst v12  }
0x247: {  	s22 =	sor.u32 $0x330, s19;
	[tilespmem:s11+$0xFFFFFE00] =	vst v11;
	v4 =	vld.idx.msk [tilespmem:v4+s2+$0x0], $0xffff  }
0x248: {  	s24 =	sadd.s32 $0x800, s1;
	s28 =	sadd.s32 $0x800, s4;
	[tilespmem:s22+$0x13B80] =	vst v10;
	v2 =	vld.idx.msk [tilespmem:v2+s2+$0x0], $0xffff  }
0x249: {  	s29 =	sor.u32 $0x3B0, s28;
	[tilespmem:s24+$0x0] =	vst v9;
	v3 =	vld.idx.msk [tilespmem:v3+s2+$0x0], $0xffff  }
0x24a: {  	s30 =	sadd.s32 $0x800, s11;
	[tilespmem:s29+$0x13B80] =	vst v8;
	v5 =	vld.idx.msk [tilespmem:v5+s2+$0x0], $0xffff  }
0x24b: {  	v1 =	vld.idx.msk [tilespmem:v1+s2+$0x0], $0xffff;
	[tilespmem:s30+$0x0] =	vst v6  }
0x24c: {  	[tilespmem:s30+$0xFFFFFE80] =	vst v4  }
0x24d: {  	[tilespmem:s30+$0xFFFFFF00] =	vst v2  }
0x24e: {  	s0 =	sadd.s32 $0xFFFFFF00, s28;
	[tilespmem:s30+$0xFFFFFF80] =	vst v3  }
0x24f: {  	s0 =	sor.u32 $0x330, s0;
	[tilespmem:s30+$0xFFFFFE00] =	vst v5  }
0x250: {  	[tilespmem:s0+$0x13B80] =	vst v1  }
0x251: {  	v1 =	vld [tilespmem:s20+$0x440];
	_ =	sdelay $0x4  }
0x252: {  	v1 =	vmul.u32 $0x41, v1;
	_ =	sdelay $0x1  }
0x253: {  	s31 =	simm.s32 $0x5;
	v1 =	vadd.s32 v0, v1  }
0x254: {  	s1 =	simm.s32 $0x7;
	v2 =	vadd.s32 s31, v1  }
0x255: {  	s4 =	simm.s32 $0x4;
	v3 =	vadd.s32 s1, v1  }
0x256: {  	s5 =	simm.s32 $0x1;
	v4 =	vadd.s32 s4, v1  }
0x257: {  	s6 =	simm.s32 $0x2;
	v5 =	vadd.s32 s5, v1  }
0x258: {  	s7 =	simm.s32 $0x3;
	v6 =	vadd.s32 s6, v1  }
0x259: {  	s8 =	simm.s32 $0x0;
	v7 =	vadd.s32 s7, v1;
	v2 =	vld.idx.msk [tilespmem:v2+s2+$0x0], $0xffff  }
0x25a: {  	s9 =	simm.s32 $0x6;
	v8 =	vadd.s32 s8, v1;
	v3 =	vld.idx.msk [tilespmem:v3+s2+$0x0], $0xffff  }
0x25b: {  	s10 =	simm.s32 $0xD;
	v9 =	vld.idx.msk [tilespmem:v4+s2+$0x0], $0xffff;
	v4 =	vadd.s32 s9, v1  }
0x25c: {  	s11 =	simm.s32 $0xF;
	v10 =	vadd.s32 s10, v1;
	v5 =	vld.idx.msk [tilespmem:v5+s2+$0x0], $0xffff  }
0x25d: {  	s12 =	simm.s32 $0xC;
	v11 =	vadd.s32 s11, v1;
	v13 =	vld.idx.msk [tilespmem:v6+s2+$0x0], $0xffff  }
0x25e: {  	s13 =	simm.s32 $0x9;
	v14 =	vadd.s32 s12, v1;
	v7 =	vld.idx.msk [tilespmem:v7+s2+$0x0], $0xffff  }
0x25f: {  	s19 =	simm.s32 $0xA;
	s22 =	sor.u32 $0x3C0, s18;
	v15 =	vadd.s32 s13, v1;
	v16 =	vld.idx.msk [tilespmem:v8+s2+$0x0], $0xffff;
	[tilespmem:s26+$0x0] =	vst v2  }
0x260: {  	s24 =	simm.s32 $0xB;
	v17 =	vadd.s32 s19, v1;
	v6 =	vld.idx.msk [tilespmem:v4+s2+$0x0], $0xffff;
	[tilespmem:s22+$0x13B80] =	vst v3  }
0x261: {  	s28 =	simm.s32 $0x8;
	v12 =	vadd.s32 s24, v1;
	v4 =	vld.idx.msk [tilespmem:v10+s2+$0x0], $0xffff;
	[tilespmem:s25+$0x0] =	vst v9  }
0x262: {  	s29 =	simm.s32 $0xE;
	v2 =	vld.idx.msk [tilespmem:v11+s2+$0x0], $0xffff;
	[tilespmem:s25+$0xFFFFFE80] =	vst v5;
	v11 =	vadd.s32 s28, v1  }
0x263: {  	s0 =	simm.s32 $0x10;
	s30 =	simm.s32 $0x15;
	v3 =	vld.idx.msk [tilespmem:v14+s2+$0x0], $0xffff;
	[tilespmem:s25+$0xFFFFFF00] =	vst v13;
	v10 =	vadd.s32 s29, v1  }
0x264: {  	s5 =	sor.u32 $0x340, s3;
	s31 =	simm.s32 $0x17;
	s7 =	simm.s32 $0x14;
	v5 =	vld.idx.msk [tilespmem:v15+s2+$0x0], $0xffff;
	[tilespmem:s25+$0xFFFFFF80] =	vst v7;
	v9 =	vadd.s32 s30, v1  }
0x265: {  	s4 =	simm.s32 $0x18;
	s1 =	sadd.s32 $0x800, s26;
	s6 =	smov.u32 s18;
	v8 =	vadd.s32 s31, v1;
	v7 =	vld.idx.msk [tilespmem:v17+s2+$0x0], $0xffff;
	[tilespmem:s25+$0xFFFFFE00] =	vst v16  }
.LBB2_27:
0x266: {  	p1 =	slt.u32 s4, $0x38;
	s8 =	sadd.s32 $0x1, s0;
	v13 =	vadd.s32 s7, v1;
	v14 =	vld.idx.msk [tilespmem:v12+s2+$0x0], $0xffff;
	[tilespmem:s5+$0x13B80] =	vst v6;
	s6 =	sadd.s32 $0x800, s6  }
0x267: {  	s5 =	sadd.s32 $0x2, s0;
	v15 =	vadd.s32 s8, v1;
	v16 =	vld.idx.msk [tilespmem:v11+s2+$0x0], $0xffff;
	[tilespmem:s1+$0x0] =	vst v4;
	s7 =	sadd.s32 $0xFFFFFF00, s6;
	s8 =	sor.u32 $0x3C0, s6  }
0x268: {  	s9 =	sadd.s32 $0x3, s0;
	s25 =	sadd.s32 $0x800, s25;
	v17 =	vadd.s32 s5, v1;
	v6 =	vld.idx.msk [tilespmem:v10+s2+$0x0], $0xffff;
	s5 =	sor.u32 $0x340, s7;
	[tilespmem:s8+$0x13B80] =	vst v2  }
.Ltmp12:
0x269: {  	v12 =	vadd.s32 s9, v1;
	v4 =	vld.idx.msk [tilespmem:v9+s2+$0x0], $0xffff;
	[tilespmem:s25+$0x0] =	vst v3;
	(pc) =	sbr.rel @p1 .LBB2_27-.Ltmp12, $4  }
0x26a: {  	v11 =	vadd.s32 s0, v1;
	s7 =	sadd.s32 $0x6, s0;
	s0 =	smov.u32 s4;
	v2 =	vld.idx.msk [tilespmem:v8+s2+$0x0], $0xffff;
	[tilespmem:s25+$0xFFFFFE80] =	vst v5  }
0x26b: {  	s8 =	sadd.s32 $0x5, s4;
	v10 =	vadd.s32 s7, v1;
	v3 =	vld.idx.msk [tilespmem:v13+s2+$0x0], $0xffff;
	[tilespmem:s25+$0xFFFFFF00] =	vst v7  }
0x26c: {  	v9 =	vadd.s32 s8, v1;
	s8 =	sadd.s32 $0x7, s4;
	v5 =	vld.idx.msk [tilespmem:v15+s2+$0x0], $0xffff;
	[tilespmem:s25+$0xFFFFFF80] =	vst v14  }
0x26d: {  	s1 =	sadd.s32 $0x800, s1;
	s7 =	sadd.s32 $0x4, s0;
	s4 =	sadd.s32 $0x8, s4;
	v8 =	vadd.s32 s8, v1;
	v7 =	vld.idx.msk [tilespmem:v17+s2+$0x0], $0xffff;
	[tilespmem:s25+$0xFFFFFE00] =	vst v16  }
0x26e: {  	_ =	sdelay $0x2  }
0x26f: {  	[tilespmem:s5+$0x13B80] =	vst v6;
	s4 =	sadd.s32 $0x800, s6  }
0x270: {  	s12 =	sadd.s32 $0x1, s0;
	v6 =	vadd.s32 s7, v1;
	v12 =	vld.idx.msk [tilespmem:v12+s2+$0x0], $0xffff;
	[tilespmem:s1+$0x0] =	vst v4;
	s6 =	sor.u32 $0x3C0, s4  }
0x271: {  	s13 =	sadd.s32 $0x2, s0;
	v11 =	vld.idx.msk [tilespmem:v11+s2+$0x0], $0xffff;
	s19 =	sadd.s32 $0x800, s25;
	v4 =	vadd.s32 s12, v1;
	[tilespmem:s6+$0x13B80] =	vst v2  }
0x272: {  	s22 =	sadd.s32 $0x3, s0;
	v10 =	vld.idx.msk [tilespmem:v10+s2+$0x0], $0xffff;
	v2 =	vadd.s32 s13, v1;
	[tilespmem:s19+$0x0] =	vst v3  }
0x273: {  	v9 =	vld.idx.msk [tilespmem:v9+s2+$0x0], $0xffff;
	v3 =	vadd.s32 s22, v1;
	[tilespmem:s19+$0xFFFFFE80] =	vst v5  }
0x274: {  	s24 =	sadd.s32 $0x6, s0;
	v8 =	vld.idx.msk [tilespmem:v8+s2+$0x0], $0xffff;
	v5 =	vadd.s32 s0, v1;
	[tilespmem:s19+$0xFFFFFF00] =	vst v7  }
0x275: {  	s25 =	sadd.s32 $0xFFFFFF00, s4;
	v1 =	vadd.s32 s24, v1;
	v6 =	vld.idx.msk [tilespmem:v6+s2+$0x0], $0xffff;
	[tilespmem:s19+$0xFFFFFF80] =	vst v12  }
0x276: {  	s26 =	sor.u32 $0x340, s25;
	[tilespmem:s19+$0xFFFFFE00] =	vst v11;
	v4 =	vld.idx.msk [tilespmem:v4+s2+$0x0], $0xffff  }
0x277: {  	s28 =	sadd.s32 $0x800, s1;
	s29 =	sadd.s32 $0x800, s4;
	[tilespmem:s26+$0x13B80] =	vst v10;
	v2 =	vld.idx.msk [tilespmem:v2+s2+$0x0], $0xffff  }
0x278: {  	s30 =	sor.u32 $0x3C0, s29;
	[tilespmem:s28+$0x0] =	vst v9;
	v3 =	vld.idx.msk [tilespmem:v3+s2+$0x0], $0xffff  }
0x279: {  	s31 =	sadd.s32 $0x800, s19;
	[tilespmem:s30+$0x13B80] =	vst v8;
	v5 =	vld.idx.msk [tilespmem:v5+s2+$0x0], $0xffff  }
0x27a: {  	v1 =	vld.idx.msk [tilespmem:v1+s2+$0x0], $0xffff;
	[tilespmem:s31+$0x0] =	vst v6  }
0x27b: {  	[tilespmem:s31+$0xFFFFFE80] =	vst v4  }
0x27c: {  	[tilespmem:s31+$0xFFFFFF00] =	vst v2  }
0x27d: {  	s0 =	sadd.s32 $0xFFFFFF00, s29;
	[tilespmem:s31+$0xFFFFFF80] =	vst v3  }
0x27e: {  	s0 =	sor.u32 $0x340, s0;
	[tilespmem:s31+$0xFFFFFE00] =	vst v5  }
0x27f: {  	[tilespmem:s0+$0x13B80] =	vst v1  }
0x280: {  	v1 =	vld [tilespmem:s20+$0x450];
	_ =	sdelay $0x4  }
0x281: {  	v1 =	vmul.u32 $0x41, v1;
	_ =	sdelay $0x1  }
0x282: {  	s1 =	simm.s32 $0x5;
	v1 =	vadd.s32 v0, v1  }
0x283: {  	s4 =	simm.s32 $0x7;
	v2 =	vadd.s32 s1, v1  }
0x284: {  	s5 =	simm.s32 $0x4;
	v3 =	vadd.s32 s4, v1  }
0x285: {  	s6 =	simm.s32 $0x1;
	v4 =	vadd.s32 s5, v1  }
0x286: {  	s7 =	simm.s32 $0x2;
	v5 =	vadd.s32 s6, v1  }
0x287: {  	s8 =	simm.s32 $0x3;
	v6 =	vadd.s32 s7, v1  }
0x288: {  	s9 =	simm.s32 $0x0;
	v7 =	vadd.s32 s8, v1;
	v2 =	vld.idx.msk [tilespmem:v2+s2+$0x0], $0xffff  }
0x289: {  	s10 =	simm.s32 $0x6;
	v8 =	vadd.s32 s9, v1;
	v3 =	vld.idx.msk [tilespmem:v3+s2+$0x0], $0xffff  }
0x28a: {  	s11 =	simm.s32 $0xD;
	v9 =	vld.idx.msk [tilespmem:v4+s2+$0x0], $0xffff;
	v4 =	vadd.s32 s10, v1  }
0x28b: {  	s12 =	simm.s32 $0xF;
	v10 =	vadd.s32 s11, v1;
	v5 =	vld.idx.msk [tilespmem:v5+s2+$0x0], $0xffff  }
0x28c: {  	s13 =	simm.s32 $0xC;
	v11 =	vadd.s32 s12, v1;
	v13 =	vld.idx.msk [tilespmem:v6+s2+$0x0], $0xffff  }
0x28d: {  	s19 =	simm.s32 $0x9;
	s24 =	rddreg [dreg:$0xb];
	v14 =	vadd.s32 s13, v1;
	v7 =	vld.idx.msk [tilespmem:v7+s2+$0x0], $0xffff  }
0x28e: {  	s22 =	simm.s32 $0xA;
	s25 =	sor.u32 $0x3D0, s18;
	v15 =	vadd.s32 s19, v1;
	v16 =	vld.idx.msk [tilespmem:v8+s2+$0x0], $0xffff;
	[tilespmem:s24+$0x0] =	vst v2  }
0x28f: {  	s26 =	simm.s32 $0xB;
	v17 =	vadd.s32 s22, v1;
	v6 =	vld.idx.msk [tilespmem:v4+s2+$0x0], $0xffff;
	[tilespmem:s25+$0x13B80] =	vst v3  }
0x290: {  	s28 =	simm.s32 $0x8;
	v12 =	vadd.s32 s26, v1;
	v4 =	vld.idx.msk [tilespmem:v10+s2+$0x0], $0xffff;
	[tilespmem:s23+$0x0] =	vst v9  }
0x291: {  	s29 =	simm.s32 $0xE;
	v2 =	vld.idx.msk [tilespmem:v11+s2+$0x0], $0xffff;
	[tilespmem:s23+$0xFFFFFE80] =	vst v5;
	v11 =	vadd.s32 s28, v1  }
0x292: {  	s30 =	simm.s32 $0x15;
	s0 =	simm.s32 $0x10;
	v3 =	vld.idx.msk [tilespmem:v14+s2+$0x0], $0xffff;
	[tilespmem:s23+$0xFFFFFF00] =	vst v13;
	v10 =	vadd.s32 s29, v1  }
0x293: {  	s31 =	simm.s32 $0x17;
	s5 =	sor.u32 $0x350, s3;
	s7 =	simm.s32 $0x14;
	v5 =	vld.idx.msk [tilespmem:v15+s2+$0x0], $0xffff;
	[tilespmem:s23+$0xFFFFFF80] =	vst v7;
	v9 =	vadd.s32 s30, v1  }
0x294: {  	s4 =	simm.s32 $0x18;
	s1 =	sadd.s32 $0x800, s24;
	s6 =	smov.u32 s18;
	v8 =	vadd.s32 s31, v1;
	v7 =	vld.idx.msk [tilespmem:v17+s2+$0x0], $0xffff;
	[tilespmem:s23+$0xFFFFFE00] =	vst v16  }
.LBB2_29:
0x295: {  	p1 =	slt.u32 s4, $0x38;
	s8 =	sadd.s32 $0x1, s0;
	v13 =	vadd.s32 s7, v1;
	v14 =	vld.idx.msk [tilespmem:v12+s2+$0x0], $0xffff;
	[tilespmem:s5+$0x13B80] =	vst v6;
	s6 =	sadd.s32 $0x800, s6  }
0x296: {  	s5 =	sadd.s32 $0x2, s0;
	v15 =	vadd.s32 s8, v1;
	v16 =	vld.idx.msk [tilespmem:v11+s2+$0x0], $0xffff;
	[tilespmem:s1+$0x0] =	vst v4;
	s7 =	sadd.s32 $0xFFFFFF00, s6;
	s8 =	sor.u32 $0x3D0, s6  }
0x297: {  	s9 =	sadd.s32 $0x3, s0;
	s23 =	sadd.s32 $0x800, s23;
	v17 =	vadd.s32 s5, v1;
	v6 =	vld.idx.msk [tilespmem:v10+s2+$0x0], $0xffff;
	s5 =	sor.u32 $0x350, s7;
	[tilespmem:s8+$0x13B80] =	vst v2  }
.Ltmp13:
0x298: {  	v12 =	vadd.s32 s9, v1;
	v4 =	vld.idx.msk [tilespmem:v9+s2+$0x0], $0xffff;
	[tilespmem:s23+$0x0] =	vst v3;
	(pc) =	sbr.rel @p1 .LBB2_29-.Ltmp13, $4  }
0x299: {  	v11 =	vadd.s32 s0, v1;
	s7 =	sadd.s32 $0x6, s0;
	s0 =	smov.u32 s4;
	v2 =	vld.idx.msk [tilespmem:v8+s2+$0x0], $0xffff;
	[tilespmem:s23+$0xFFFFFE80] =	vst v5  }
0x29a: {  	s8 =	sadd.s32 $0x5, s4;
	v10 =	vadd.s32 s7, v1;
	v3 =	vld.idx.msk [tilespmem:v13+s2+$0x0], $0xffff;
	[tilespmem:s23+$0xFFFFFF00] =	vst v7  }
0x29b: {  	v9 =	vadd.s32 s8, v1;
	s8 =	sadd.s32 $0x7, s4;
	v5 =	vld.idx.msk [tilespmem:v15+s2+$0x0], $0xffff;
	[tilespmem:s23+$0xFFFFFF80] =	vst v14  }
0x29c: {  	s1 =	sadd.s32 $0x800, s1;
	s7 =	sadd.s32 $0x4, s0;
	s4 =	sadd.s32 $0x8, s4;
	v8 =	vadd.s32 s8, v1;
	v7 =	vld.idx.msk [tilespmem:v17+s2+$0x0], $0xffff;
	[tilespmem:s23+$0xFFFFFE00] =	vst v16  }
0x29d: {  	_ =	sdelay $0x2  }
0x29e: {  	[tilespmem:s5+$0x13B80] =	vst v6;
	s4 =	sadd.s32 $0x800, s6  }
0x29f: {  	s13 =	sadd.s32 $0x1, s0;
	v6 =	vadd.s32 s7, v1;
	v12 =	vld.idx.msk [tilespmem:v12+s2+$0x0], $0xffff;
	[tilespmem:s1+$0x0] =	vst v4;
	s6 =	sor.u32 $0x3D0, s4  }
0x2a0: {  	s19 =	sadd.s32 $0x2, s0;
	v11 =	vld.idx.msk [tilespmem:v11+s2+$0x0], $0xffff;
	s22 =	sadd.s32 $0x800, s23;
	v4 =	vadd.s32 s13, v1;
	[tilespmem:s6+$0x13B80] =	vst v2  }
0x2a1: {  	s23 =	sadd.s32 $0x3, s0;
	v10 =	vld.idx.msk [tilespmem:v10+s2+$0x0], $0xffff;
	v2 =	vadd.s32 s19, v1;
	[tilespmem:s22+$0x0] =	vst v3  }
0x2a2: {  	v9 =	vld.idx.msk [tilespmem:v9+s2+$0x0], $0xffff;
	v3 =	vadd.s32 s23, v1;
	[tilespmem:s22+$0xFFFFFE80] =	vst v5  }
0x2a3: {  	s24 =	sadd.s32 $0x6, s0;
	v8 =	vld.idx.msk [tilespmem:v8+s2+$0x0], $0xffff;
	v5 =	vadd.s32 s0, v1;
	[tilespmem:s22+$0xFFFFFF00] =	vst v7  }
0x2a4: {  	s25 =	sadd.s32 $0xFFFFFF00, s4;
	v1 =	vadd.s32 s24, v1;
	v6 =	vld.idx.msk [tilespmem:v6+s2+$0x0], $0xffff;
	[tilespmem:s22+$0xFFFFFF80] =	vst v12  }
0x2a5: {  	s26 =	sor.u32 $0x350, s25;
	[tilespmem:s22+$0xFFFFFE00] =	vst v11;
	v4 =	vld.idx.msk [tilespmem:v4+s2+$0x0], $0xffff  }
0x2a6: {  	s28 =	sadd.s32 $0x800, s1;
	s29 =	sadd.s32 $0x800, s4;
	[tilespmem:s26+$0x13B80] =	vst v10;
	v2 =	vld.idx.msk [tilespmem:v2+s2+$0x0], $0xffff  }
0x2a7: {  	s30 =	sor.u32 $0x3D0, s29;
	[tilespmem:s28+$0x0] =	vst v9;
	v3 =	vld.idx.msk [tilespmem:v3+s2+$0x0], $0xffff  }
0x2a8: {  	s31 =	sadd.s32 $0x800, s22;
	[tilespmem:s30+$0x13B80] =	vst v8;
	v5 =	vld.idx.msk [tilespmem:v5+s2+$0x0], $0xffff  }
0x2a9: {  	v1 =	vld.idx.msk [tilespmem:v1+s2+$0x0], $0xffff;
	[tilespmem:s31+$0x0] =	vst v6  }
0x2aa: {  	[tilespmem:s31+$0xFFFFFE80] =	vst v4  }
0x2ab: {  	[tilespmem:s31+$0xFFFFFF00] =	vst v2  }
0x2ac: {  	s0 =	sadd.s32 $0xFFFFFF00, s29;
	[tilespmem:s31+$0xFFFFFF80] =	vst v3  }
0x2ad: {  	s0 =	sor.u32 $0x350, s0;
	[tilespmem:s31+$0xFFFFFE00] =	vst v5  }
0x2ae: {  	[tilespmem:s0+$0x13B80] =	vst v1  }
0x2af: {  	v1 =	vld [tilespmem:s20+$0x460];
	_ =	sdelay $0x4  }
0x2b0: {  	v1 =	vmul.u32 $0x41, v1;
	_ =	sdelay $0x1  }
0x2b1: {  	s4 =	simm.s32 $0x5;
	v1 =	vadd.s32 v0, v1  }
0x2b2: {  	s5 =	simm.s32 $0x7;
	v2 =	vadd.s32 s4, v1  }
0x2b3: {  	s6 =	simm.s32 $0x4;
	v3 =	vadd.s32 s5, v1  }
0x2b4: {  	s7 =	simm.s32 $0x1;
	v4 =	vadd.s32 s6, v1  }
0x2b5: {  	s8 =	simm.s32 $0x2;
	v5 =	vadd.s32 s7, v1  }
0x2b6: {  	s9 =	simm.s32 $0x3;
	v6 =	vadd.s32 s8, v1  }
0x2b7: {  	s10 =	simm.s32 $0x0;
	v7 =	vadd.s32 s9, v1;
	v2 =	vld.idx.msk [tilespmem:v2+s2+$0x0], $0xffff  }
0x2b8: {  	s11 =	simm.s32 $0x6;
	v8 =	vadd.s32 s10, v1;
	v3 =	vld.idx.msk [tilespmem:v3+s2+$0x0], $0xffff  }
0x2b9: {  	s12 =	simm.s32 $0xD;
	v9 =	vld.idx.msk [tilespmem:v4+s2+$0x0], $0xffff;
	v4 =	vadd.s32 s11, v1  }
0x2ba: {  	s13 =	simm.s32 $0xF;
	v10 =	vadd.s32 s12, v1;
	v5 =	vld.idx.msk [tilespmem:v5+s2+$0x0], $0xffff  }
0x2bb: {  	s19 =	simm.s32 $0xC;
	v11 =	vadd.s32 s13, v1;
	v13 =	vld.idx.msk [tilespmem:v6+s2+$0x0], $0xffff  }
0x2bc: {  	s22 =	simm.s32 $0x9;
	s24 =	rddreg [dreg:$0xa];
	v14 =	vadd.s32 s19, v1;
	v7 =	vld.idx.msk [tilespmem:v7+s2+$0x0], $0xffff  }
0x2bd: {  	s23 =	simm.s32 $0xA;
	s25 =	sor.u32 $0x3E0, s18;
	v15 =	vadd.s32 s22, v1;
	v16 =	vld.idx.msk [tilespmem:v8+s2+$0x0], $0xffff;
	[tilespmem:s24+$0x0] =	vst v2  }
0x2be: {  	s26 =	simm.s32 $0xB;
	v17 =	vadd.s32 s23, v1;
	v6 =	vld.idx.msk [tilespmem:v4+s2+$0x0], $0xffff;
	[tilespmem:s25+$0x13B80] =	vst v3  }
0x2bf: {  	s28 =	simm.s32 $0x8;
	v12 =	vadd.s32 s26, v1;
	v4 =	vld.idx.msk [tilespmem:v10+s2+$0x0], $0xffff;
	[tilespmem:s21+$0x0] =	vst v9  }
0x2c0: {  	s29 =	simm.s32 $0xE;
	v2 =	vld.idx.msk [tilespmem:v11+s2+$0x0], $0xffff;
	[tilespmem:s21+$0xFFFFFE80] =	vst v5;
	v11 =	vadd.s32 s28, v1  }
0x2c1: {  	s30 =	simm.s32 $0x15;
	s0 =	simm.s32 $0x10;
	v3 =	vld.idx.msk [tilespmem:v14+s2+$0x0], $0xffff;
	[tilespmem:s21+$0xFFFFFF00] =	vst v13;
	v10 =	vadd.s32 s29, v1  }
0x2c2: {  	s31 =	simm.s32 $0x17;
	s1 =	sadd.s32 $0x800, s24;
	s5 =	sor.u32 $0x360, s3;
	v5 =	vld.idx.msk [tilespmem:v15+s2+$0x0], $0xffff;
	[tilespmem:s21+$0xFFFFFF80] =	vst v7;
	v9 =	vadd.s32 s30, v1  }
0x2c3: {  	s7 =	simm.s32 $0x14;
	s4 =	simm.s32 $0x18;
	s6 =	smov.u32 s18;
	v8 =	vadd.s32 s31, v1;
	v7 =	vld.idx.msk [tilespmem:v17+s2+$0x0], $0xffff;
	[tilespmem:s21+$0xFFFFFE00] =	vst v16  }
.LBB2_31:
0x2c4: {  	p1 =	slt.u32 s4, $0x38;
	s8 =	sadd.s32 $0x1, s0;
	v13 =	vadd.s32 s7, v1;
	v14 =	vld.idx.msk [tilespmem:v12+s2+$0x0], $0xffff;
	[tilespmem:s5+$0x13B80] =	vst v6;
	s6 =	sadd.s32 $0x800, s6  }
0x2c5: {  	s5 =	sadd.s32 $0x2, s0;
	v15 =	vadd.s32 s8, v1;
	v16 =	vld.idx.msk [tilespmem:v11+s2+$0x0], $0xffff;
	[tilespmem:s1+$0x0] =	vst v4;
	s7 =	sadd.s32 $0xFFFFFF00, s6;
	s8 =	sor.u32 $0x3E0, s6  }
0x2c6: {  	s9 =	sadd.s32 $0x3, s0;
	s21 =	sadd.s32 $0x800, s21;
	v17 =	vadd.s32 s5, v1;
	v6 =	vld.idx.msk [tilespmem:v10+s2+$0x0], $0xffff;
	s5 =	sor.u32 $0x360, s7;
	[tilespmem:s8+$0x13B80] =	vst v2  }
.Ltmp14:
0x2c7: {  	v12 =	vadd.s32 s9, v1;
	v4 =	vld.idx.msk [tilespmem:v9+s2+$0x0], $0xffff;
	[tilespmem:s21+$0x0] =	vst v3;
	(pc) =	sbr.rel @p1 .LBB2_31-.Ltmp14, $4  }
0x2c8: {  	v11 =	vadd.s32 s0, v1;
	s7 =	sadd.s32 $0x6, s0;
	s0 =	smov.u32 s4;
	v2 =	vld.idx.msk [tilespmem:v8+s2+$0x0], $0xffff;
	[tilespmem:s21+$0xFFFFFE80] =	vst v5  }
0x2c9: {  	s8 =	sadd.s32 $0x5, s4;
	v10 =	vadd.s32 s7, v1;
	v3 =	vld.idx.msk [tilespmem:v13+s2+$0x0], $0xffff;
	[tilespmem:s21+$0xFFFFFF00] =	vst v7  }
0x2ca: {  	v9 =	vadd.s32 s8, v1;
	s8 =	sadd.s32 $0x7, s4;
	v5 =	vld.idx.msk [tilespmem:v15+s2+$0x0], $0xffff;
	[tilespmem:s21+$0xFFFFFF80] =	vst v14  }
0x2cb: {  	s1 =	sadd.s32 $0x800, s1;
	s7 =	sadd.s32 $0x4, s0;
	s4 =	sadd.s32 $0x8, s4;
	v8 =	vadd.s32 s8, v1;
	v7 =	vld.idx.msk [tilespmem:v17+s2+$0x0], $0xffff;
	[tilespmem:s21+$0xFFFFFE00] =	vst v16  }
0x2cc: {  	_ =	sdelay $0x2  }
0x2cd: {  	[tilespmem:s5+$0x13B80] =	vst v6;
	s4 =	sadd.s32 $0x800, s6  }
0x2ce: {  	s22 =	sadd.s32 $0x1, s0;
	v6 =	vadd.s32 s7, v1;
	v12 =	vld.idx.msk [tilespmem:v12+s2+$0x0], $0xffff;
	[tilespmem:s1+$0x0] =	vst v4;
	s6 =	sor.u32 $0x3E0, s4  }
0x2cf: {  	s23 =	sadd.s32 $0x2, s0;
	v11 =	vld.idx.msk [tilespmem:v11+s2+$0x0], $0xffff;
	s24 =	sadd.s32 $0x800, s21;
	v4 =	vadd.s32 s22, v1;
	[tilespmem:s6+$0x13B80] =	vst v2  }
0x2d0: {  	s25 =	sadd.s32 $0x3, s0;
	v10 =	vld.idx.msk [tilespmem:v10+s2+$0x0], $0xffff;
	v2 =	vadd.s32 s23, v1;
	[tilespmem:s24+$0x0] =	vst v3  }
0x2d1: {  	v9 =	vld.idx.msk [tilespmem:v9+s2+$0x0], $0xffff;
	v3 =	vadd.s32 s25, v1;
	[tilespmem:s24+$0xFFFFFE80] =	vst v5  }
0x2d2: {  	s26 =	sadd.s32 $0x6, s0;
	v8 =	vld.idx.msk [tilespmem:v8+s2+$0x0], $0xffff;
	v5 =	vadd.s32 s0, v1;
	[tilespmem:s24+$0xFFFFFF00] =	vst v7  }
0x2d3: {  	s28 =	sadd.s32 $0xFFFFFF00, s4;
	v1 =	vadd.s32 s26, v1;
	v6 =	vld.idx.msk [tilespmem:v6+s2+$0x0], $0xffff;
	[tilespmem:s24+$0xFFFFFF80] =	vst v12  }
0x2d4: {  	s29 =	sor.u32 $0x360, s28;
	[tilespmem:s24+$0xFFFFFE00] =	vst v11;
	v4 =	vld.idx.msk [tilespmem:v4+s2+$0x0], $0xffff  }
0x2d5: {  	s30 =	sadd.s32 $0x800, s1;
	s31 =	sadd.s32 $0x800, s4;
	[tilespmem:s29+$0x13B80] =	vst v10;
	v2 =	vld.idx.msk [tilespmem:v2+s2+$0x0], $0xffff  }
0x2d6: {  	s4 =	sor.u32 $0x3E0, s31;
	[tilespmem:s30+$0x0] =	vst v9;
	v3 =	vld.idx.msk [tilespmem:v3+s2+$0x0], $0xffff  }
0x2d7: {  	s5 =	sadd.s32 $0x800, s24;
	[tilespmem:s4+$0x13B80] =	vst v8;
	v5 =	vld.idx.msk [tilespmem:v5+s2+$0x0], $0xffff  }
0x2d8: {  	v1 =	vld.idx.msk [tilespmem:v1+s2+$0x0], $0xffff;
	[tilespmem:s5+$0x0] =	vst v6  }
0x2d9: {  	[tilespmem:s5+$0xFFFFFE80] =	vst v4  }
0x2da: {  	[tilespmem:s5+$0xFFFFFF00] =	vst v2  }
0x2db: {  	s0 =	sadd.s32 $0xFFFFFF00, s31;
	[tilespmem:s5+$0xFFFFFF80] =	vst v3  }
0x2dc: {  	s0 =	sor.u32 $0x360, s0;
	[tilespmem:s5+$0xFFFFFE00] =	vst v5  }
0x2dd: {  	[tilespmem:s0+$0x13B80] =	vst v1  }
0x2de: {  	v1 =	vld [tilespmem:s20+$0x470];
	_ =	sdelay $0x4  }
0x2df: {  	v1 =	vmul.u32 $0x41, v1;
	_ =	sdelay $0x1  }
0x2e0: {  	s6 =	simm.s32 $0x5;
	v1 =	vadd.s32 v0, v1  }
0x2e1: {  	s7 =	simm.s32 $0x7;
	v2 =	vadd.s32 s6, v1  }
0x2e2: {  	s8 =	simm.s32 $0x4;
	v3 =	vadd.s32 s7, v1  }
0x2e3: {  	s9 =	simm.s32 $0x1;
	v4 =	vadd.s32 s8, v1  }
0x2e4: {  	s10 =	simm.s32 $0x2;
	v5 =	vadd.s32 s9, v1  }
0x2e5: {  	s11 =	simm.s32 $0x3;
	v6 =	vadd.s32 s10, v1  }
0x2e6: {  	s12 =	simm.s32 $0x0;
	v7 =	vadd.s32 s11, v1;
	v2 =	vld.idx.msk [tilespmem:v2+s2+$0x0], $0xffff  }
0x2e7: {  	s13 =	simm.s32 $0x6;
	v8 =	vadd.s32 s12, v1;
	v3 =	vld.idx.msk [tilespmem:v3+s2+$0x0], $0xffff  }
0x2e8: {  	s19 =	simm.s32 $0xD;
	v9 =	vld.idx.msk [tilespmem:v4+s2+$0x0], $0xffff;
	v4 =	vadd.s32 s13, v1  }
0x2e9: {  	s20 =	simm.s32 $0xF;
	v10 =	vadd.s32 s19, v1;
	v5 =	vld.idx.msk [tilespmem:v5+s2+$0x0], $0xffff  }
0x2ea: {  	s21 =	simm.s32 $0xC;
	v11 =	vadd.s32 s20, v1;
	v13 =	vld.idx.msk [tilespmem:v6+s2+$0x0], $0xffff  }
0x2eb: {  	s22 =	simm.s32 $0x9;
	s24 =	rddreg [dreg:$0x9];
	v14 =	vadd.s32 s21, v1;
	v7 =	vld.idx.msk [tilespmem:v7+s2+$0x0], $0xffff  }
0x2ec: {  	s23 =	simm.s32 $0xA;
	s25 =	sor.u32 $0x3F0, s18;
	v15 =	vadd.s32 s22, v1;
	v16 =	vld.idx.msk [tilespmem:v8+s2+$0x0], $0xffff;
	[tilespmem:s24+$0x0] =	vst v2  }
0x2ed: {  	s26 =	simm.s32 $0xB;
	v17 =	vadd.s32 s23, v1;
	v6 =	vld.idx.msk [tilespmem:v4+s2+$0x0], $0xffff;
	[tilespmem:s25+$0x13B80] =	vst v3  }
0x2ee: {  	s28 =	simm.s32 $0x8;
	v12 =	vadd.s32 s26, v1;
	v4 =	vld.idx.msk [tilespmem:v10+s2+$0x0], $0xffff;
	[tilespmem:s17+$0x0] =	vst v9  }
0x2ef: {  	s29 =	simm.s32 $0xE;
	v2 =	vld.idx.msk [tilespmem:v11+s2+$0x0], $0xffff;
	[tilespmem:s17+$0xFFFFFE80] =	vst v5;
	v11 =	vadd.s32 s28, v1  }
0x2f0: {  	s30 =	simm.s32 $0x15;
	v3 =	vld.idx.msk [tilespmem:v14+s2+$0x0], $0xffff;
	[tilespmem:s17+$0xFFFFFF00] =	vst v13;
	v10 =	vadd.s32 s29, v1  }
0x2f1: {  	s31 =	simm.s32 $0x17;
	s4 =	sor.u32 $0x370, s3;
	s3 =	simm.s32 $0x18;
	v5 =	vld.idx.msk [tilespmem:v15+s2+$0x0], $0xffff;
	[tilespmem:s17+$0xFFFFFF80] =	vst v7;
	v9 =	vadd.s32 s30, v1  }
0x2f2: {  	s0 =	simm.s32 $0x10;
	s5 =	simm.s32 $0x14;
	s1 =	sadd.s32 $0x800, s24;
	v8 =	vadd.s32 s31, v1;
	v7 =	vld.idx.msk [tilespmem:v17+s2+$0x0], $0xffff;
	[tilespmem:s17+$0xFFFFFE00] =	vst v16  }
.LBB2_33:
0x2f3: {  	p1 =	slt.u32 s3, $0x38;
	s6 =	sadd.s32 $0x1, s0;
	v13 =	vadd.s32 s5, v1;
	v14 =	vld.idx.msk [tilespmem:v12+s2+$0x0], $0xffff;
	[tilespmem:s4+$0x13B80] =	vst v6;
	s18 =	sadd.s32 $0x800, s18  }
0x2f4: {  	s4 =	sadd.s32 $0x2, s0;
	v15 =	vadd.s32 s6, v1;
	v16 =	vld.idx.msk [tilespmem:v11+s2+$0x0], $0xffff;
	[tilespmem:s1+$0x0] =	vst v4;
	s5 =	sadd.s32 $0xFFFFFF00, s18;
	s6 =	sor.u32 $0x3F0, s18  }
0x2f5: {  	s7 =	sadd.s32 $0x3, s0;
	s17 =	sadd.s32 $0x800, s17;
	v17 =	vadd.s32 s4, v1;
	v6 =	vld.idx.msk [tilespmem:v10+s2+$0x0], $0xffff;
	s4 =	sor.u32 $0x370, s5;
	[tilespmem:s6+$0x13B80] =	vst v2  }
.Ltmp15:
0x2f6: {  	v12 =	vadd.s32 s7, v1;
	v4 =	vld.idx.msk [tilespmem:v9+s2+$0x0], $0xffff;
	[tilespmem:s17+$0x0] =	vst v3;
	(pc) =	sbr.rel @p1 .LBB2_33-.Ltmp15, $4  }
0x2f7: {  	v11 =	vadd.s32 s0, v1;
	s5 =	sadd.s32 $0x6, s0;
	s0 =	smov.u32 s3;
	v2 =	vld.idx.msk [tilespmem:v8+s2+$0x0], $0xffff;
	[tilespmem:s17+$0xFFFFFE80] =	vst v5  }
0x2f8: {  	s6 =	sadd.s32 $0x5, s3;
	v10 =	vadd.s32 s5, v1;
	v3 =	vld.idx.msk [tilespmem:v13+s2+$0x0], $0xffff;
	[tilespmem:s17+$0xFFFFFF00] =	vst v7  }
0x2f9: {  	v9 =	vadd.s32 s6, v1;
	s6 =	sadd.s32 $0x7, s3;
	v5 =	vld.idx.msk [tilespmem:v15+s2+$0x0], $0xffff;
	[tilespmem:s17+$0xFFFFFF80] =	vst v14  }
0x2fa: {  	s1 =	sadd.s32 $0x800, s1;
	s5 =	sadd.s32 $0x4, s0;
	s3 =	sadd.s32 $0x8, s3;
	v8 =	vadd.s32 s6, v1;
	v7 =	vld.idx.msk [tilespmem:v17+s2+$0x0], $0xffff;
	[tilespmem:s17+$0xFFFFFE00] =	vst v16  }
0x2fb: {  	_ =	sdelay $0x2  }
0x2fc: {  	[tilespmem:s4+$0x13B80] =	vst v6;
	s3 =	sadd.s32 $0x800, s18  }
0x2fd: {  	v61 =	vadd.s32 s5, v1;
	v12 =	vld.idx.msk [tilespmem:v12+s2+$0x0], $0xffff;
	[tilespmem:s1+$0x0] =	vst v4;
	s9 =	sor.u32 $0x3F0, s3  }
0x2fe: {  	s8 =	sadd.s32 $0x1, s0;
	v11 =	vld.idx.msk [tilespmem:v11+s2+$0x0], $0xffff;
	s11 =	sadd.s32 $0x800, s17;
	v63 =	vadd.s32 s0, v1;
	[tilespmem:s9+$0x13B80] =	vst v2  }
0x2ff: {  	s10 =	sadd.s32 $0x2, s0;
	v10 =	vld.idx.msk [tilespmem:v10+s2+$0x0], $0xffff;
	v62 =	vadd.s32 s8, v1;
	[tilespmem:s11+$0x0] =	vst v3  }
0x300: {  	s12 =	sadd.s32 $0x3, s0;
	v9 =	vld.idx.msk [tilespmem:v9+s2+$0x0], $0xffff;
	v2 =	vadd.s32 s10, v1;
	[tilespmem:s11+$0xFFFFFE80] =	vst v5  }
0x301: {  	v8 =	vld.idx.msk [tilespmem:v8+s2+$0x0], $0xffff;
	v3 =	vadd.s32 s12, v1;
	[tilespmem:s11+$0xFFFFFF00] =	vst v7  }
0x302: {  	s17 =	sadd.s32 $0xFFFFFF00, s3;
	v6 =	vld.idx.msk [tilespmem:v61+s2+$0x0], $0xffff;
	[tilespmem:s11+$0xFFFFFF80] =	vst v12  }
0x303: {  	s13 =	sadd.s32 $0x6, s0;
	s18 =	sor.u32 $0x370, s17;
	[tilespmem:s11+$0xFFFFFE00] =	vst v11;
	v5 =	vld.idx.msk [tilespmem:v63+s2+$0x0], $0xffff  }
0x304: {  	s19 =	sadd.s32 $0x800, s1;
	s20 =	sadd.s32 $0x800, s3;
	v1 =	vadd.s32 s13, v1;
	[tilespmem:s18+$0x13B80] =	vst v10;
	v4 =	vld.idx.msk [tilespmem:v62+s2+$0x0], $0xffff  }
0x305: {  	s21 =	sor.u32 $0x3F0, s20;
	[tilespmem:s19+$0x0] =	vst v9;
	v2 =	vld.idx.msk [tilespmem:v2+s2+$0x0], $0xffff  }
0x306: {  	s22 =	sadd.s32 $0x800, s11;
	[tilespmem:s21+$0x13B80] =	vst v8;
	v3 =	vld.idx.msk [tilespmem:v3+s2+$0x0], $0xffff  }
0x307: {  	[tilespmem:s22+$0x0] =	vst v6  }
0x308: {  	[tilespmem:s22+$0xFFFFFE00] =	vst v5  }
0x309: {  	s14 =	sadd.s32 $0x1, s14;
	v1 =	vld.idx.msk [tilespmem:v1+s2+$0x0], $0xffff;
	[tilespmem:s22+$0xFFFFFE80] =	vst v4  }
0x30a: {  	s23 =	sshll.u32 s16, $0x11;
	p1 =	sne.s32 s14, $0x64;
	[tilespmem:s22+$0xFFFFFF00] =	vst v2  }
.Ltmp16:
0x30b: {  	s24 =	sshll.u32 s15, $0x8;
	s26 =	sshll.u32 s15, $0xE;
	[tilespmem:s22+$0xFFFFFF80] =	vst v3;
	(pc) =	sbr.rel @p1 .LBB2_2-.Ltmp16, $4  }
0x30c: {  	s30 =	simm.s32 $0x20000;
	s0 =	sadd.s32 $0xFFFFFF00, s20;
	s25 =	rddreg [dreg:$0x6]  }
0x30d: {  	s31 =	simm.s32 $0x800;
	s0 =	sor.u32 $0x370, s0;
	s3 =	sadd.s32 s23, s25  }
0x30e: {  	p0 =	por !p0, !p0;
	s29 =	sor.u32 $0x13B80, s26;
	[tilespmem:s0+$0x13B80] =	vst v1;
	s28 =	sadd.s32 s24, s3  }
0x30f: {  	[hbm4b:s28+s31] =	stream.strided.scatter [tilespmem:s29], [sflag:$0x2], $0x4000, s30, s31, $0x38;
	[tilespmem:$0x1BB80] =	vst v63  }
0x310: {  	s1 =	simm.s32 $0x2  }
0x311: {  	_ =	swait.ge [sflag:s1], $0x4000  }
0x312: {  	[sflag:s1] =	ssyncset.done $0x0  }
0x313: {  	[sflag:s1] =	ssyncadd.s32 $0xFFFFC000  }
0x314: {  	_ =	swait.ge [sflag:s1], $0x4000  }
0x315: {  	s3 =	rddreg [dreg:$0x8]  }
0x316: {  	s0 =	rddreg [dreg:$0x7];
	s3 =	sadd.s32 $0x1, s3  }
0x317: {  	p0 =	sne.s32 s3, s0  }
.Ltmp17:
0x318: {  	_ = 	snop;
	(pc) =	sbr.rel @p0 .LBB2_1-.Ltmp17, $3  }
0x319: {  	_ =	sdelay $0x1  }
0x31a: {  	[sflag:s1] =	ssyncset.done $0x0  }
0x31b: {  	[sflag:s1] =	ssyncadd.s32 $0xFFFFC000  }
0x31c: {  	_ =	sfence.sel $0x180000  }
0x31d: {  	[bflag:$0x0] =	sbarrier.arrive $0xFFFF  }
0x31e: {  	_ =	strace $0x90000047  }
0x31f: {  	s0 =	stileid.u32;
	[bflag:$0x2] =	sbarrier.arrive $0xFFFF  }
0x320: {  	p0 =	sne.s32 s0, $0x0;
	s0 =	rddreg [dreg:$0x3]  }
0x321: {  	s0 =	sadd.s32 @!p0 $0x100000, s0  }
0x322: {  	[sflag:s0] =	ssyncadd.tile.s32 @!p0 $0x1;
	_ =	shalt  }
.Lfunc_end2:
_tile_overlayer_lowered:
.L_overlay_start_2:
0x323: {  	(tag) =	ssettag $0x2  }
0x324: {  	s0 =	rddreg [dreg:$0x0];
	s2 =	stileid.u32  }
0x325: {  	s1 =	rddreg [dreg:$0x1];
	p0 =	sne.s32 s2, $0x0  }
0x326: {  	s3 =	rddreg [dreg:$0x2];
	[bflag:$0x3] =	sbarrier.arrive $0xFFFF;
	s2 =	simm.s32 @!p0 $0x1C03  }
0x327: {  	[timem:s3], [sflag:s2] =	dma.local @!p0 [hbm:s0], s1  }
0x328: {  	s0 =	simm.s32 @!p0 $0x3  }
0x329: {  	_ =	swait.ge @!p0 [sflag:s0], s1  }
0x32a: {  	s1 =	ssub.s32 @!p0 $0x0, s1;
	[sflag:s0] =	ssyncset.done @!p0 $0x0  }
0x32b: {  	[sflag:s0] =	ssyncadd.s32 @!p0 s1  }
0x32c: {  	[bflag:$0x3] =	sbarrier.arrive $0xFFFF  }
0x32d: {  	_ =	shalt  }

</sc_bundles>
